<compile_context>
chip_gen: v7x
topology: tpu7x:2x2x1
jax: 0.10.2.dev20260603
libtpu: 0.0.44.dev20260713+nightly
codegen_flags: <defaults>
</compile_context>

<pallas_src>
import functools

import jax
import jax.numpy as jnp
from jax import lax
from jax.experimental import pallas as pl
from jax.experimental.pallas import tpu as pltpu
from jax.experimental.pallas import tpu_sc as plsc

_CTX = 200
_DIM = 64
_HID = 128
_LANES = 16
_TOK_PER_TILE = 8
_N_TITLE_TILES = _CTX // _TOK_PER_TILE
_NROW_CHUNKS = _DIM // _LANES


def _gather_body(idx_hbm, embT_hbm, x_hbm, idx_v, win_v, xflat_v, sem,
                 *, num_cores):
    wid = lax.axis_index("s") * num_cores + lax.axis_index("c")

    @pl.when(wid < _N_TITLE_TILES)
    def _():
        base = wid * (_TOK_PER_TILE * _DIM)
        pltpu.sync_copy(idx_hbm.at[pl.ds(wid * _TOK_PER_TILE, _LANES)], idx_v)
        idx = idx_v[...]
        copies = []
        for j in range(_TOK_PER_TILE):
            colb = pl.multiple_of((idx[j] // 128) * 128, 128)
            copies.append(
                pltpu.async_copy(embT_hbm.at[:, pl.ds(colb, 128)],
                                 win_v.at[j], sem))
        rows0 = lax.iota(jnp.int32, _LANES)
        for j in range(_TOK_PER_TILE):
            copies[j].wait()
            off = jnp.full((_LANES,), idx[j] % 128, jnp.int32)
            for b in range(_NROW_CHUNKS):
                vals = plsc.load_gather(win_v.at[j], [rows0 + b * _LANES, off])
                xflat_v[0, pl.ds(j * _DIM + b * _LANES, _LANES)] = vals
        pltpu.sync_copy(
            xflat_v,
            x_hbm.at[:, pl.ds(pl.multiple_of(base, 128), _TOK_PER_TILE * _DIM)])


def _make_sc_gather():
    mesh = plsc.VectorSubcoreMesh(core_axis_name="c", subcore_axis_name="s")
    return pl.kernel(
        functools.partial(_gather_body, num_cores=mesh.num_cores),
        out_type=jax.ShapeDtypeStruct((1, _CTX * _DIM), jnp.float32),
        mesh=mesh,
        compiler_params=pltpu.CompilerParams(disable_bounds_checks=True,
                                             needs_layout_passes=False),
        scratch_types=[
            pltpu.VMEM((_LANES,), jnp.int32),
            pltpu.VMEM((_TOK_PER_TILE, _DIM, 128), jnp.float32),
            pltpu.VMEM((1, _TOK_PER_TILE * _DIM), jnp.float32),
            pltpu.SemaphoreType.DMA,
        ],
    )


def _mlp_body(x_ref, emb2T_ref, cat_ref, q_ref, w1_ref, b1_ref, w2_ref,
              b2_ref, o_ref):
    ncat = emb2T_ref.shape[1]
    lane = lax.broadcasted_iota(jnp.int32, (_DIM, ncat), 1)
    col = jnp.where(lane == cat_ref[0], emb2T_ref[...], 0.0)
    cat_row = jnp.sum(col, axis=1, keepdims=True)
    h = jnp.sum(cat_row * w1_ref[0:_DIM, :], axis=0, keepdims=True)
    h = h + jnp.dot(x_ref[...], w1_ref[_DIM:_DIM + _CTX * _DIM, :],
                    preferred_element_type=jnp.float32)
    h = h + q_ref[...] * w1_ref[_CTX * _DIM + _DIM:_CTX * _DIM + _DIM + 1, :]
    h = jnp.maximum(h + b1_ref[...], 0.0)
    o = jnp.dot(h, w2_ref[...], preferred_element_type=jnp.float32)
    o_ref[...] = jax.nn.sigmoid(o + b2_ref[...])


def _mlp(x, emb2T, cat, q, W1, b1, W2, b2):
    vmem = pl.BlockSpec(memory_space=pltpu.MemorySpace.VMEM)
    return pl.pallas_call(
        _mlp_body,
        in_specs=[vmem, vmem,
                  pl.BlockSpec(memory_space=pltpu.MemorySpace.SMEM),
                  vmem, vmem, vmem, vmem, vmem],
        out_shape=jax.ShapeDtypeStruct((1, 1), jnp.float32),
    )(x, emb2T, cat, q, W1, b1, W2, b2)


def kernel(category, title, quantity, emb, emb2, W1, b1, W2, b2):
    x = _make_sc_gather()(title.astype(jnp.int32), emb.T)
    return _mlp(x, emb2.T, category.astype(jnp.int32),
                quantity.reshape(1, 1), W1, b1.reshape(1, _HID),
                W2, b2.reshape(1, 1))

# --- scband reference (transcript-rebuilt; emitter-appended) ---
"""Pipeline reference for scband-title-classifier-18021682774718 (READ-ONLY COPY).

The authoritative reference and input builder live on the scoring server;
editing this copy changes nothing except your own understanding.
"""

import jax, jax.numpy as jnp
import numpy as np

VOCAB = 1000000
CAT = 1000
DIM = 64
CTX = 200
HID = 128
IN_DIM = DIM * (CTX + 1) + 1


def setup_inputs(seed: int = 0) -> dict:
    key = jax.random.key(seed)
    ks = jax.random.split(key, 8)
    category = jax.random.randint(ks[0], (1,), 0, CAT, dtype=jnp.int64) if jax.config.jax_enable_x64 else jax.random.randint(ks[0], (1,), 0, CAT)
    title = jax.random.randint(ks[1], (CTX,), 0, VOCAB)
    quantity = jax.random.uniform(ks[2], (1,), dtype=jnp.float32)
    emb = jax.random.normal(ks[3], (VOCAB, DIM), dtype=jnp.float32)
    emb2 = jax.random.normal(ks[4], (CAT, DIM), dtype=jnp.float32)
    W1 = jax.random.normal(ks[5], (IN_DIM, HID), dtype=jnp.float32) * 0.02
    b1 = jnp.zeros((HID,), dtype=jnp.float32)
    W2 = jax.random.normal(ks[6], (HID, 1), dtype=jnp.float32) * 0.02
    b2 = jnp.zeros((1,), dtype=jnp.float32)
    return {"category": category, "title": title, "quantity": quantity,
            "emb": emb, "emb2": emb2, "W1": W1, "b1": b1, "W2": W2, "b2": b2}


def reference(category, title, quantity, emb, emb2, W1, b1, W2, b2):
    title_embed = jnp.take(emb, title, axis=0).reshape((1, -1))
    category_embed = jnp.take(emb2, category, axis=0).reshape((1, -1))
    embeds_full = jnp.concatenate((category_embed, title_embed, quantity[:, None]), axis=-1)
    out = jax.nn.relu(embeds_full @ W1 + b1)
    out = out @ W2 + b2
    log_probs = jax.nn.sigmoid(out)
    return log_probs

if __name__ == "__main__":
    import jax
    _d = setup_inputs()
    print(jax.jit(kernel)(*tuple(_d.values())))

</pallas_src>

<mosaic_0001>
#map = affine_map<(d0, d1) -> (0)>
#map1 = affine_map<(d0, d1) -> (0, 0)>
module attributes {stable_mosaic.version = 14 : i64} {
  func.func @_gather_body(%arg0: i32, %arg1: i32, %arg2: memref<200xi32, #tpu.memory_space<hbm>>, %arg3: memref<64x1000000xf32, #tpu.memory_space<hbm>>, %arg4: memref<1x12800xf32, #tpu.memory_space<hbm>>, %arg5: memref<16xi32, #tpu.memory_space<vmem>>, %arg6: memref<8x64x128xf32, #tpu.memory_space<vmem>>, %arg7: memref<1x512xf32, #tpu.memory_space<vmem>>, %arg8: memref<!tpu.dma_semaphore, #tpu.memory_space<semaphore_mem>>) attributes {dimension_semantics = [#tpu.dimension_semantics<core_parallel>, #tpu.dimension_semantics<subcore_parallel>], iteration_bounds = array<i64: 2, 16>, scalar_prefetch = 0 : i64, scratch_operands = 4 : i64, tpu.core_type = #tpu.core_type<sc_vector_subcore>, window_params = [{transform_indices = #map}, {transform_indices = #map1}, {transform_indices = #map1}]} {
    %mul3A = arith.constant 2 : i32
    %mul3A_0 = arith.muli %arg1, %mul3A : i32
    %add3A = arith.addi %mul3A_0, %arg0 : i32
    %lt3A = arith.constant 25 : i32
    %lt3A_1 = arith.cmpi slt, %add3A, %lt3A : i32
    %convert_element_type3A = arith.extui %lt3A_1 : i1 to i32
    %cond3A = arith.constant 0 : i32
    %cond3A_2 = arith.cmpi ne, %convert_element_type3A, %cond3A : i32
    scf.if %cond3A_2 {
      %mul3A_3 = arith.constant 512 : i32
      %mul3A_4 = arith.muli %add3A, %mul3A_3 : i32
      %mul3A_5 = arith.constant 8 : i32
      %mul3A_6 = arith.muli %add3A, %mul3A_5 : i32
      "tpu.region"() ({
        %run_scoped3A = tpu.sem_alloc : memref<!tpu.dma_semaphore, #tpu.memory_space<semaphore_mem>>
        %dma_start3A_1000 = tpu.memref_slice %arg2[%mul3A_6] : memref<200xi32, #tpu.memory_space<hbm>> -> memref<16xi32, #tpu.memory_space<hbm>>
        %dma_start3A_1001 = tpu.memref_slice %arg2[%mul3A_6] : memref<200xi32, #tpu.memory_space<hbm>> -> memref<16xi32, #tpu.memory_space<hbm>>
        tpu.enqueue_dma source(%dma_start3A_1001 : memref<16xi32, #tpu.memory_space<hbm>>) target(%arg5 : memref<16xi32, #tpu.memory_space<vmem>>) target_semaphore(%run_scoped3A : memref<!tpu.dma_semaphore, #tpu.memory_space<semaphore_mem>>)
        %dma_wait3A_1002 = tpu.memref_slice %arg2[%mul3A_6] : memref<200xi32, #tpu.memory_space<hbm>> -> memref<16xi32, #tpu.memory_space<hbm>>
        %dma_wait3A_1003 = tpu.memref_slice %arg2[%mul3A_6] : memref<200xi32, #tpu.memory_space<hbm>> -> memref<16xi32, #tpu.memory_space<hbm>>
        tpu.wait_dma2 semaphore(%run_scoped3A : memref<!tpu.dma_semaphore, #tpu.memory_space<semaphore_mem>>) src(%dma_wait3A_1003 : memref<16xi32, #tpu.memory_space<hbm>>) dst(%arg5 : memref<16xi32, #tpu.memory_space<vmem>>)
        tpu.yield
      }) : () -> ()
      %get3A = arith.constant 0 : index
      %get3A_7 = tpu.vector_load %arg5[%get3A] {strides = array<i32>} : memref<16xi32, #tpu.memory_space<vmem>>, vector<16xi32>,
      %slice3A = vector.extract_strided_slice %get3A_7 {offsets = [0], sizes = [1], strides = [1]} : vector<16xi32> to vector<1xi32>
      %squeeze3A = vector.extract %slice3A[0] : i32 from vector<1xi32>
      %jit3A = arith.constant 128 : i32
      %div3A = arith.divsi %squeeze3A, %jit3A : i32
      %sign3A = arith.constant 0 : i32
      %sign3A_8 = arith.cmpi sgt, %squeeze3A, %sign3A : i32
      %sign3A_9 = arith.extui %sign3A_8 : i1 to i32
      %sign3A_10 = arith.constant 0 : i32
      %sign3A_11 = arith.cmpi slt, %squeeze3A, %sign3A_10 : i32
      %sign3A_12 = arith.extui %sign3A_11 : i1 to i32
      %sign3A_13 = arith.subi %sign3A_9, %sign3A_12 : i32
      %sign3A_14 = arith.constant 0 : i32
      %sign3A_15 = arith.cmpi sgt, %jit3A, %sign3A_14 : i32
      %sign3A_16 = arith.extui %sign3A_15 : i1 to i32
      %sign3A_17 = arith.constant 0 : i32
      %sign3A_18 = arith.cmpi slt, %jit3A, %sign3A_17 : i32
      %sign3A_19 = arith.extui %sign3A_18 : i1 to i32
      %sign3A_20 = arith.subi %sign3A_16, %sign3A_19 : i32
      %ne3A = arith.cmpi ne, %sign3A_13, %sign3A_20 : i32
      %rem3A = arith.remsi %squeeze3A, %jit3A : i32
      %ne3A_21 = arith.constant 0 : i32
      %ne3A_22 = arith.cmpi ne, %rem3A, %ne3A_21 : i32
      %and3A = arith.andi %ne3A, %ne3A_22 : i1
      %sub3A = arith.constant 1 : i32
      %sub3A_23 = arith.subi %div3A, %sub3A : i32
      %select_n3A = arith.select %and3A, %sub3A_23, %div3A : i32
      %mul3A_24 = arith.constant 128 : i32
      %mul3A_25 = arith.muli %select_n3A, %mul3A_24 : i32
      %multiple_of3A = tpu.assume_multiple %mul3A_25, 128 : i32
      %dma_start3A = arith.constant 0 : i32
      %dma_start3A_26 = arith.constant 0 : i32
      %dma_start3A_27 = arith.constant 0 : i32
      %dma_start3A_28 = tpu.memref_slice %arg6[%dma_start3A, %dma_start3A_26, %dma_start3A_27] : memref<8x64x128xf32, #tpu.memory_space<vmem>> -> memref<1x64x128xf32, #tpu.memory_space<vmem>>
      %dma_start3A_29 = tpu.memref_squeeze %dma_start3A_28 : memref<1x64x128xf32, #tpu.memory_space<vmem>> -> memref<64x128xf32, #tpu.memory_space<vmem>>
      %dma_start3A_30 = arith.constant 0 : i32
      %dma_start3A_31 = tpu.memref_slice %arg3[%dma_start3A_30, %multiple_of3A] : memref<64x1000000xf32, #tpu.memory_space<hbm>> -> memref<64x128xf32, #tpu.memory_space<hbm>>
      %dma_start3A_32 = arith.constant 0 : i32
      %dma_start3A_33 = arith.constant 0 : i32
      %dma_start3A_34 = tpu.memref_slice %arg6[%dma_start3A, %dma_start3A_32, %dma_start3A_33] : memref<8x64x128xf32, #tpu.memory_space<vmem>> -> memref<1x64x128xf32, #tpu.memory_space<vmem>>
      %dma_start3A_35 = tpu.memref_squeeze %dma_start3A_34 : memref<1x64x128xf32, #tpu.memory_space<vmem>> -> memref<64x128xf32, #tpu.memory_space<vmem>>
      %dma_start3A_36 = arith.constant 0 : i32
      %dma_start3A_37 = tpu.memref_slice %arg3[%dma_start3A_36, %multiple_of3A] : memref<64x1000000xf32, #tpu.memory_space<hbm>> -> memref<64x128xf32, #tpu.memory_space<hbm>>
      tpu.enqueue_dma source(%dma_start3A_37 : memref<64x128xf32, #tpu.memory_space<hbm>>) target(%dma_start3A_35 : memref<64x128xf32, #tpu.memory_space<vmem>>) target_semaphore(%arg8 : memref<!tpu.dma_semaphore, #tpu.memory_space<semaphore_mem>>)
      %slice3A_38 = vector.extract_strided_slice %get3A_7 {offsets = [1], sizes = [1], strides = [1]} : vector<16xi32> to vector<1xi32>
      %squeeze3A_39 = vector.extract %slice3A_38[0] : i32 from vector<1xi32>
      %jit3A_40 = arith.constant 128 : i32
      %div3A_41 = arith.divsi %squeeze3A_39, %jit3A_40 : i32
      %sign3A_42 = arith.constant 0 : i32
      %sign3A_43 = arith.cmpi sgt, %squeeze3A_39, %sign3A_42 : i32
      %sign3A_44 = arith.extui %sign3A_43 : i1 to i32
      %sign3A_45 = arith.constant 0 : i32
      %sign3A_46 = arith.cmpi slt, %squeeze3A_39, %sign3A_45 : i32
      %sign3A_47 = arith.extui %sign3A_46 : i1 to i32
      %sign3A_48 = arith.subi %sign3A_44, %sign3A_47 : i32
      %sign3A_49 = arith.constant 0 : i32
      %sign3A_50 = arith.cmpi sgt, %jit3A_40, %sign3A_49 : i32
      %sign3A_51 = arith.extui %sign3A_50 : i1 to i32
      %sign3A_52 = arith.constant 0 : i32
      %sign3A_53 = arith.cmpi slt, %jit3A_40, %sign3A_52 : i32
      %sign3A_54 = arith.extui %sign3A_53 : i1 to i32
      %sign3A_55 = arith.subi %sign3A_51, %sign3A_54 : i32
      %ne3A_56 = arith.cmpi ne, %sign3A_48, %sign3A_55 : i32
      %rem3A_57 = arith.remsi %squeeze3A_39, %jit3A_40 : i32
      %ne3A_58 = arith.constant 0 : i32
      %ne3A_59 = arith.cmpi ne, %rem3A_57, %ne3A_58 : i32
      %and3A_60 = arith.andi %ne3A_56, %ne3A_59 : i1
      %sub3A_61 = arith.constant 1 : i32
      %sub3A_62 = arith.subi %div3A_41, %sub3A_61 : i32
      %select_n3A_63 = arith.select %and3A_60, %sub3A_62, %div3A_41 : i32
      %mul3A_64 = arith.constant 128 : i32
      %mul3A_65 = arith.muli %select_n3A_63, %mul3A_64 : i32
      %multiple_of3A_66 = tpu.assume_multiple %mul3A_65, 128 : i32
      %dma_start3A_67 = arith.constant 1 : i32
      %dma_start3A_68 = arith.constant 0 : i32
      %dma_start3A_69 = arith.constant 0 : i32
      %dma_start3A_70 = tpu.memref_slice %arg6[%dma_start3A_67, %dma_start3A_68, %dma_start3A_69] : memref<8x64x128xf32, #tpu.memory_space<vmem>> -> memref<1x64x128xf32, #tpu.memory_space<vmem>>
      %dma_start3A_71 = tpu.memref_squeeze %dma_start3A_70 : memref<1x64x128xf32, #tpu.memory_space<vmem>> -> memref<64x128xf32, #tpu.memory_space<vmem>>
      %dma_start3A_72 = arith.constant 0 : i32
      %dma_start3A_73 = tpu.memref_slice %arg3[%dma_start3A_72, %multiple_of3A_66] : memref<64x1000000xf32, #tpu.memory_space<hbm>> -> memref<64x128xf32, #tpu.memory_space<hbm>>
      %dma_start3A_74 = arith.constant 0 : i32
      %dma_start3A_75 = arith.constant 0 : i32
      %dma_start3A_76 = tpu.memref_slice %arg6[%dma_start3A_67, %dma_start3A_74, %dma_start3A_75] : memref<8x64x128xf32, #tpu.memory_space<vmem>> -> memref<1x64x128xf32, #tpu.memory_space<vmem>>
      %dma_start3A_77 = tpu.memref_squeeze %dma_start3A_76 : memref<1x64x128xf32, #tpu.memory_space<vmem>> -> memref<64x128xf32, #tpu.memory_space<vmem>>
      %dma_start3A_78 = arith.constant 0 : i32
      %dma_start3A_79 = tpu.memref_slice %arg3[%dma_start3A_78, %multiple_of3A_66] : memref<64x1000000xf32, #tpu.memory_space<hbm>> -> memref<64x128xf32, #tpu.memory_space<hbm>>
      tpu.enqueue_dma source(%dma_start3A_79 : memref<64x128xf32, #tpu.memory_space<hbm>>) target(%dma_start3A_77 : memref<64x128xf32, #tpu.memory_space<vmem>>) target_semaphore(%arg8 : memref<!tpu.dma_semaphore, #tpu.memory_space<semaphore_mem>>)
      %slice3A_80 = vector.extract_strided_slice %get3A_7 {offsets = [2], sizes = [1], strides = [1]} : vector<16xi32> to vector<1xi32>
      %squeeze3A_81 = vector.extract %slice3A_80[0] : i32 from vector<1xi32>
      %jit3A_82 = arith.constant 128 : i32
      %div3A_83 = arith.divsi %squeeze3A_81, %jit3A_82 : i32
      %sign3A_84 = arith.constant 0 : i32
      %sign3A_85 = arith.cmpi sgt, %squeeze3A_81, %sign3A_84 : i32
      %sign3A_86 = arith.extui %sign3A_85 : i1 to i32
      %sign3A_87 = arith.constant 0 : i32
      %sign3A_88 = arith.cmpi slt, %squeeze3A_81, %sign3A_87 : i32
      %sign3A_89 = arith.extui %sign3A_88 : i1 to i32
      %sign3A_90 = arith.subi %sign3A_86, %sign3A_89 : i32
      %sign3A_91 = arith.constant 0 : i32
      %sign3A_92 = arith.cmpi sgt, %jit3A_82, %sign3A_91 : i32
      %sign3A_93 = arith.extui %sign3A_92 : i1 to i32
      %sign3A_94 = arith.constant 0 : i32
      %sign3A_95 = arith.cmpi slt, %jit3A_82, %sign3A_94 : i32
      %sign3A_96 = arith.extui %sign3A_95 : i1 to i32
      %sign3A_97 = arith.subi %sign3A_93, %sign3A_96 : i32
      %ne3A_98 = arith.cmpi ne, %sign3A_90, %sign3A_97 : i32
      %rem3A_99 = arith.remsi %squeeze3A_81, %jit3A_82 : i32
      %ne3A_100 = arith.constant 0 : i32
      %ne3A_101 = arith.cmpi ne, %rem3A_99, %ne3A_100 : i32
      %and3A_102 = arith.andi %ne3A_98, %ne3A_101 : i1
      %sub3A_103 = arith.constant 1 : i32
      %sub3A_104 = arith.subi %div3A_83, %sub3A_103 : i32
      %select_n3A_105 = arith.select %and3A_102, %sub3A_104, %div3A_83 : i32
      %mul3A_106 = arith.constant 128 : i32
      %mul3A_107 = arith.muli %select_n3A_105, %mul3A_106 : i32
      %multiple_of3A_108 = tpu.assume_multiple %mul3A_107, 128 : i32
      %dma_start3A_109 = arith.constant 2 : i32
      %dma_start3A_110 = arith.constant 0 : i32
      %dma_start3A_111 = arith.constant 0 : i32
      %dma_start3A_112 = tpu.memref_slice %arg6[%dma_start3A_109, %dma_start3A_110, %dma_start3A_111] : memref<8x64x128xf32, #tpu.memory_space<vmem>> -> memref<1x64x128xf32, #tpu.memory_space<vmem>>
      %dma_start3A_113 = tpu.memref_squeeze %dma_start3A_112 : memref<1x64x128xf32, #tpu.memory_space<vmem>> -> memref<64x128xf32, #tpu.memory_space<vmem>>
      %dma_start3A_114 = arith.constant 0 : i32
      %dma_start3A_115 = tpu.memref_slice %arg3[%dma_start3A_114, %multiple_of3A_108] : memref<64x1000000xf32, #tpu.memory_space<hbm>> -> memref<64x128xf32, #tpu.memory_space<hbm>>
      %dma_start3A_116 = arith.constant 0 : i32
      %dma_start3A_117 = arith.constant 0 : i32
      %dma_start3A_118 = tpu.memref_slice %arg6[%dma_start3A_109, %dma_start3A_116, %dma_start3A_117] : memref<8x64x128xf32, #tpu.memory_space<vmem>> -> memref<1x64x128xf32, #tpu.memory_space<vmem>>
      %dma_start3A_119 = tpu.memref_squeeze %dma_start3A_118 : memref<1x64x128xf32, #tpu.memory_space<vmem>> -> memref<64x128xf32, #tpu.memory_space<vmem>>
      %dma_start3A_120 = arith.constant 0 : i32
      %dma_start3A_121 = tpu.memref_slice %arg3[%dma_start3A_120, %multiple_of3A_108] : memref<64x1000000xf32, #tpu.memory_space<hbm>> -> memref<64x128xf32, #tpu.memory_space<hbm>>
      tpu.enqueue_dma source(%dma_start3A_121 : memref<64x128xf32, #tpu.memory_space<hbm>>) target(%dma_start3A_119 : memref<64x128xf32, #tpu.memory_space<vmem>>) target_semaphore(%arg8 : memref<!tpu.dma_semaphore, #tpu.memory_space<semaphore_mem>>)
      %slice3A_122 = vector.extract_strided_slice %get3A_7 {offsets = [3], sizes = [1], strides = [1]} : vector<16xi32> to vector<1xi32>
      %squeeze3A_123 = vector.extract %slice3A_122[0] : i32 from vector<1xi32>
      %jit3A_124 = arith.constant 128 : i32
      %div3A_125 = arith.divsi %squeeze3A_123, %jit3A_124 : i32
      %sign3A_126 = arith.constant 0 : i32
      %sign3A_127 = arith.cmpi sgt, %squeeze3A_123, %sign3A_126 : i32
      %sign3A_128 = arith.extui %sign3A_127 : i1 to i32
      %sign3A_129 = arith.constant 0 : i32
      %sign3A_130 = arith.cmpi slt, %squeeze3A_123, %sign3A_129 : i32
      %sign3A_131 = arith.extui %sign3A_130 : i1 to i32
      %sign3A_132 = arith.subi %sign3A_128, %sign3A_131 : i32
      %sign3A_133 = arith.constant 0 : i32
      %sign3A_134 = arith.cmpi sgt, %jit3A_124, %sign3A_133 : i32
      %sign3A_135 = arith.extui %sign3A_134 : i1 to i32
      %sign3A_136 = arith.constant 0 : i32
      %sign3A_137 = arith.cmpi slt, %jit3A_124, %sign3A_136 : i32
      %sign3A_138 = arith.extui %sign3A_137 : i1 to i32
      %sign3A_139 = arith.subi %sign3A_135, %sign3A_138 : i32
      %ne3A_140 = arith.cmpi ne, %sign3A_132, %sign3A_139 : i32
      %rem3A_141 = arith.remsi %squeeze3A_123, %jit3A_124 : i32
      %ne3A_142 = arith.constant 0 : i32
      %ne3A_143 = arith.cmpi ne, %rem3A_141, %ne3A_142 : i32
      %and3A_144 = arith.andi %ne3A_140, %ne3A_143 : i1
      %sub3A_145 = arith.constant 1 : i32
      %sub3A_146 = arith.subi %div3A_125, %sub3A_145 : i32
      %select_n3A_147 = arith.select %and3A_144, %sub3A_146, %div3A_125 : i32
      %mul3A_148 = arith.constant 128 : i32
      %mul3A_149 = arith.muli %select_n3A_147, %mul3A_148 : i32
      %multiple_of3A_150 = tpu.assume_multiple %mul3A_149, 128 : i32
      %dma_start3A_151 = arith.constant 3 : i32
      %dma_start3A_152 = arith.constant 0 : i32
      %dma_start3A_153 = arith.constant 0 : i32
      %dma_start3A_154 = tpu.memref_slice %arg6[%dma_start3A_151, %dma_start3A_152, %dma_start3A_153] : memref<8x64x128xf32, #tpu.memory_space<vmem>> -> memref<1x64x128xf32, #tpu.memory_space<vmem>>
      %dma_start3A_155 = tpu.memref_squeeze %dma_start3A_154 : memref<1x64x128xf32, #tpu.memory_space<vmem>> -> memref<64x128xf32, #tpu.memory_space<vmem>>
      %dma_start3A_156 = arith.constant 0 : i32
      %dma_start3A_157 = tpu.memref_slice %arg3[%dma_start3A_156, %multiple_of3A_150] : memref<64x1000000xf32, #tpu.memory_space<hbm>> -> memref<64x128xf32, #tpu.memory_space<hbm>>
      %dma_start3A_158 = arith.constant 0 : i32
      %dma_start3A_159 = arith.constant 0 : i32
      %dma_start3A_160 = tpu.memref_slice %arg6[%dma_start3A_151, %dma_start3A_158, %dma_start3A_159] : memref<8x64x128xf32, #tpu.memory_space<vmem>> -> memref<1x64x128xf32, #tpu.memory_space<vmem>>
      %dma_start3A_161 = tpu.memref_squeeze %dma_start3A_160 : memref<1x64x128xf32, #tpu.memory_space<vmem>> -> memref<64x128xf32, #tpu.memory_space<vmem>>
      %dma_start3A_162 = arith.constant 0 : i32
      %dma_start3A_163 = tpu.memref_slice %arg3[%dma_start3A_162, %multiple_of3A_150] : memref<64x1000000xf32, #tpu.memory_space<hbm>> -> memref<64x128xf32, #tpu.memory_space<hbm>>
      tpu.enqueue_dma source(%dma_start3A_163 : memref<64x128xf32, #tpu.memory_space<hbm>>) target(%dma_start3A_161 : memref<64x128xf32, #tpu.memory_space<vmem>>) target_semaphore(%arg8 : memref<!tpu.dma_semaphore, #tpu.memory_space<semaphore_mem>>)
      %slice3A_164 = vector.extract_strided_slice %get3A_7 {offsets = [4], sizes = [1], strides = [1]} : vector<16xi32> to vector<1xi32>
      %squeeze3A_165 = vector.extract %slice3A_164[0] : i32 from vector<1xi32>
      %jit3A_166 = arith.constant 128 : i32
      %div3A_167 = arith.divsi %squeeze3A_165, %jit3A_166 : i32
      %sign3A_168 = arith.constant 0 : i32
      %sign3A_169 = arith.cmpi sgt, %squeeze3A_165, %sign3A_168 : i32
      %sign3A_170 = arith.extui %sign3A_169 : i1 to i32
      %sign3A_171 = arith.constant 0 : i32
      %sign3A_172 = arith.cmpi slt, %squeeze3A_165, %sign3A_171 : i32
      %sign3A_173 = arith.extui %sign3A_172 : i1 to i32
      %sign3A_174 = arith.subi %sign3A_170, %sign3A_173 : i32
      %sign3A_175 = arith.constant 0 : i32
      %sign3A_176 = arith.cmpi sgt, %jit3A_166, %sign3A_175 : i32
      %sign3A_177 = arith.extui %sign3A_176 : i1 to i32
      %sign3A_178 = arith.constant 0 : i32
      %sign3A_179 = arith.cmpi slt, %jit3A_166, %sign3A_178 : i32
      %sign3A_180 = arith.extui %sign3A_179 : i1 to i32
      %sign3A_181 = arith.subi %sign3A_177, %sign3A_180 : i32
      %ne3A_182 = arith.cmpi ne, %sign3A_174, %sign3A_181 : i32
      %rem3A_183 = arith.remsi %squeeze3A_165, %jit3A_166 : i32
      %ne3A_184 = arith.constant 0 : i32
      %ne3A_185 = arith.cmpi ne, %rem3A_183, %ne3A_184 : i32
      %and3A_186 = arith.andi %ne3A_182, %ne3A_185 : i1
      %sub3A_187 = arith.constant 1 : i32
      %sub3A_188 = arith.subi %div3A_167, %sub3A_187 : i32
      %select_n3A_189 = arith.select %and3A_186, %sub3A_188, %div3A_167 : i32
      %mul3A_190 = arith.constant 128 : i32
      %mul3A_191 = arith.muli %select_n3A_189, %mul3A_190 : i32
      %multiple_of3A_192 = tpu.assume_multiple %mul3A_191, 128 : i32
      %dma_start3A_193 = arith.constant 4 : i32
      %dma_start3A_194 = arith.constant 0 : i32
      %dma_start3A_195 = arith.constant 0 : i32
      %dma_start3A_196 = tpu.memref_slice %arg6[%dma_start3A_193, %dma_start3A_194, %dma_start3A_195] : memref<8x64x128xf32, #tpu.memory_space<vmem>> -> memref<1x64x128xf32, #tpu.memory_space<vmem>>
      %dma_start3A_197 = tpu.memref_squeeze %dma_start3A_196 : memref<1x64x128xf32, #tpu.memory_space<vmem>> -> memref<64x128xf32, #tpu.memory_space<vmem>>
      %dma_start3A_198 = arith.constant 0 : i32
      %dma_start3A_199 = tpu.memref_slice %arg3[%dma_start3A_198, %multiple_of3A_192] : memref<64x1000000xf32, #tpu.memory_space<hbm>> -> memref<64x128xf32, #tpu.memory_space<hbm>>
      %dma_start3A_200 = arith.constant 0 : i32
      %dma_start3A_201 = arith.constant 0 : i32
      %dma_start3A_202 = tpu.memref_slice %arg6[%dma_start3A_193, %dma_start3A_200, %dma_start3A_201] : memref<8x64x128xf32, #tpu.memory_space<vmem>> -> memref<1x64x128xf32, #tpu.memory_space<vmem>>
      %dma_start3A_203 = tpu.memref_squeeze %dma_start3A_202 : memref<1x64x128xf32, #tpu.memory_space<vmem>> -> memref<64x128xf32, #tpu.memory_space<vmem>>
      %dma_start3A_204 = arith.constant 0 : i32
      %dma_start3A_205 = tpu.memref_slice %arg3[%dma_start3A_204, %multiple_of3A_192] : memref<64x1000000xf32, #tpu.memory_space<hbm>> -> memref<64x128xf32, #tpu.memory_space<hbm>>
      tpu.enqueue_dma source(%dma_start3A_205 : memref<64x128xf32, #tpu.memory_space<hbm>>) target(%dma_start3A_203 : memref<64x128xf32, #tpu.memory_space<vmem>>) target_semaphore(%arg8 : memref<!tpu.dma_semaphore, #tpu.memory_space<semaphore_mem>>)
      %slice3A_206 = vector.extract_strided_slice %get3A_7 {offsets = [5], sizes = [1], strides = [1]} : vector<16xi32> to vector<1xi32>
      %squeeze3A_207 = vector.extract %slice3A_206[0] : i32 from vector<1xi32>
      %jit3A_208 = arith.constant 128 : i32
      %div3A_209 = arith.divsi %squeeze3A_207, %jit3A_208 : i32
      %sign3A_210 = arith.constant 0 : i32
      %sign3A_211 = arith.cmpi sgt, %squeeze3A_207, %sign3A_210 : i32
      %sign3A_212 = arith.extui %sign3A_211 : i1 to i32
      %sign3A_213 = arith.constant 0 : i32
      %sign3A_214 = arith.cmpi slt, %squeeze3A_207, %sign3A_213 : i32
      %sign3A_215 = arith.extui %sign3A_214 : i1 to i32
      %sign3A_216 = arith.subi %sign3A_212, %sign3A_215 : i32
      %sign3A_217 = arith.constant 0 : i32
      %sign3A_218 = arith.cmpi sgt, %jit3A_208, %sign3A_217 : i32
      %sign3A_219 = arith.extui %sign3A_218 : i1 to i32
      %sign3A_220 = arith.constant 0 : i32
      %sign3A_221 = arith.cmpi slt, %jit3A_208, %sign3A_220 : i32
      %sign3A_222 = arith.extui %sign3A_221 : i1 to i32
      %sign3A_223 = arith.subi %sign3A_219, %sign3A_222 : i32
      %ne3A_224 = arith.cmpi ne, %sign3A_216, %sign3A_223 : i32
      %rem3A_225 = arith.remsi %squeeze3A_207, %jit3A_208 : i32
      %ne3A_226 = arith.constant 0 : i32
      %ne3A_227 = arith.cmpi ne, %rem3A_225, %ne3A_226 : i32
      %and3A_228 = arith.andi %ne3A_224, %ne3A_227 : i1
      %sub3A_229 = arith.constant 1 : i32
      %sub3A_230 = arith.subi %div3A_209, %sub3A_229 : i32
      %select_n3A_231 = arith.select %and3A_228, %sub3A_230, %div3A_209 : i32
      %mul3A_232 = arith.constant 128 : i32
      %mul3A_233 = arith.muli %select_n3A_231, %mul3A_232 : i32
      %multiple_of3A_234 = tpu.assume_multiple %mul3A_233, 128 : i32
      %dma_start3A_235 = arith.constant 5 : i32
      %dma_start3A_236 = arith.constant 0 : i32
      %dma_start3A_237 = arith.constant 0 : i32
      %dma_start3A_238 = tpu.memref_slice %arg6[%dma_start3A_235, %dma_start3A_236, %dma_start3A_237] : memref<8x64x128xf32, #tpu.memory_space<vmem>> -> memref<1x64x128xf32, #tpu.memory_space<vmem>>
      %dma_start3A_239 = tpu.memref_squeeze %dma_start3A_238 : memref<1x64x128xf32, #tpu.memory_space<vmem>> -> memref<64x128xf32, #tpu.memory_space<vmem>>
      %dma_start3A_240 = arith.constant 0 : i32
      %dma_start3A_241 = tpu.memref_slice %arg3[%dma_start3A_240, %multiple_of3A_234] : memref<64x1000000xf32, #tpu.memory_space<hbm>> -> memref<64x128xf32, #tpu.memory_space<hbm>>
      %dma_start3A_242 = arith.constant 0 : i32
      %dma_start3A_243 = arith.constant 0 : i32
      %dma_start3A_244 = tpu.memref_slice %arg6[%dma_start3A_235, %dma_start3A_242, %dma_start3A_243] : memref<8x64x128xf32, #tpu.memory_space<vmem>> -> memref<1x64x128xf32, #tpu.memory_space<vmem>>
      %dma_start3A_245 = tpu.memref_squeeze %dma_start3A_244 : memref<1x64x128xf32, #tpu.memory_space<vmem>> -> memref<64x128xf32, #tpu.memory_space<vmem>>
      %dma_start3A_246 = arith.constant 0 : i32
      %dma_start3A_247 = tpu.memref_slice %arg3[%dma_start3A_246, %multiple_of3A_234] : memref<64x1000000xf32, #tpu.memory_space<hbm>> -> memref<64x128xf32, #tpu.memory_space<hbm>>
      tpu.enqueue_dma source(%dma_start3A_247 : memref<64x128xf32, #tpu.memory_space<hbm>>) target(%dma_start3A_245 : memref<64x128xf32, #tpu.memory_space<vmem>>) target_semaphore(%arg8 : memref<!tpu.dma_semaphore, #tpu.memory_space<semaphore_mem>>)
      %slice3A_248 = vector.extract_strided_slice %get3A_7 {offsets = [6], sizes = [1], strides = [1]} : vector<16xi32> to vector<1xi32>
      %squeeze3A_249 = vector.extract %slice3A_248[0] : i32 from vector<1xi32>
      %jit3A_250 = arith.constant 128 : i32
      %div3A_251 = arith.divsi %squeeze3A_249, %jit3A_250 : i32
      %sign3A_252 = arith.constant 0 : i32
      %sign3A_253 = arith.cmpi sgt, %squeeze3A_249, %sign3A_252 : i32
      %sign3A_254 = arith.extui %sign3A_253 : i1 to i32
      %sign3A_255 = arith.constant 0 : i32
      %sign3A_256 = arith.cmpi slt, %squeeze3A_249, %sign3A_255 : i32
      %sign3A_257 = arith.extui %sign3A_256 : i1 to i32
      %sign3A_258 = arith.subi %sign3A_254, %sign3A_257 : i32
      %sign3A_259 = arith.constant 0 : i32
      %sign3A_260 = arith.cmpi sgt, %jit3A_250, %sign3A_259 : i32
      %sign3A_261 = arith.extui %sign3A_260 : i1 to i32
      %sign3A_262 = arith.constant 0 : i32
      %sign3A_263 = arith.cmpi slt, %jit3A_250, %sign3A_262 : i32
      %sign3A_264 = arith.extui %sign3A_263 : i1 to i32
      %sign3A_265 = arith.subi %sign3A_261, %sign3A_264 : i32
      %ne3A_266 = arith.cmpi ne, %sign3A_258, %sign3A_265 : i32
      %rem3A_267 = arith.remsi %squeeze3A_249, %jit3A_250 : i32
      %ne3A_268 = arith.constant 0 : i32
      %ne3A_269 = arith.cmpi ne, %rem3A_267, %ne3A_268 : i32
      %and3A_270 = arith.andi %ne3A_266, %ne3A_269 : i1
      %sub3A_271 = arith.constant 1 : i32
      %sub3A_272 = arith.subi %div3A_251, %sub3A_271 : i32
      %select_n3A_273 = arith.select %and3A_270, %sub3A_272, %div3A_251 : i32
      %mul3A_274 = arith.constant 128 : i32
      %mul3A_275 = arith.muli %select_n3A_273, %mul3A_274 : i32
      %multiple_of3A_276 = tpu.assume_multiple %mul3A_275, 128 : i32
      %dma_start3A_277 = arith.constant 6 : i32
      %dma_start3A_278 = arith.constant 0 : i32
      %dma_start3A_279 = arith.constant 0 : i32
      %dma_start3A_280 = tpu.memref_slice %arg6[%dma_start3A_277, %dma_start3A_278, %dma_start3A_279] : memref<8x64x128xf32, #tpu.memory_space<vmem>> -> memref<1x64x128xf32, #tpu.memory_space<vmem>>
      %dma_start3A_281 = tpu.memref_squeeze %dma_start3A_280 : memref<1x64x128xf32, #tpu.memory_space<vmem>> -> memref<64x128xf32, #tpu.memory_space<vmem>>
      %dma_start3A_282 = arith.constant 0 : i32
      %dma_start3A_283 = tpu.memref_slice %arg3[%dma_start3A_282, %multiple_of3A_276] : memref<64x1000000xf32, #tpu.memory_space<hbm>> -> memref<64x128xf32, #tpu.memory_space<hbm>>
      %dma_start3A_284 = arith.constant 0 : i32
      %dma_start3A_285 = arith.constant 0 : i32
      %dma_start3A_286 = tpu.memref_slice %arg6[%dma_start3A_277, %dma_start3A_284, %dma_start3A_285] : memref<8x64x128xf32, #tpu.memory_space<vmem>> -> memref<1x64x128xf32, #tpu.memory_space<vmem>>
      %dma_start3A_287 = tpu.memref_squeeze %dma_start3A_286 : memref<1x64x128xf32, #tpu.memory_space<vmem>> -> memref<64x128xf32, #tpu.memory_space<vmem>>
      %dma_start3A_288 = arith.constant 0 : i32
      %dma_start3A_289 = tpu.memref_slice %arg3[%dma_start3A_288, %multiple_of3A_276] : memref<64x1000000xf32, #tpu.memory_space<hbm>> -> memref<64x128xf32, #tpu.memory_space<hbm>>
      tpu.enqueue_dma source(%dma_start3A_289 : memref<64x128xf32, #tpu.memory_space<hbm>>) target(%dma_start3A_287 : memref<64x128xf32, #tpu.memory_space<vmem>>) target_semaphore(%arg8 : memref<!tpu.dma_semaphore, #tpu.memory_space<semaphore_mem>>)
      %slice3A_290 = vector.extract_strided_slice %get3A_7 {offsets = [7], sizes = [1], strides = [1]} : vector<16xi32> to vector<1xi32>
      %squeeze3A_291 = vector.extract %slice3A_290[0] : i32 from vector<1xi32>
      %jit3A_292 = arith.constant 128 : i32
      %div3A_293 = arith.divsi %squeeze3A_291, %jit3A_292 : i32
      %sign3A_294 = arith.constant 0 : i32
      %sign3A_295 = arith.cmpi sgt, %squeeze3A_291, %sign3A_294 : i32
      %sign3A_296 = arith.extui %sign3A_295 : i1 to i32
      %sign3A_297 = arith.constant 0 : i32
      %sign3A_298 = arith.cmpi slt, %squeeze3A_291, %sign3A_297 : i32
      %sign3A_299 = arith.extui %sign3A_298 : i1 to i32
      %sign3A_300 = arith.subi %sign3A_296, %sign3A_299 : i32
      %sign3A_301 = arith.constant 0 : i32
      %sign3A_302 = arith.cmpi sgt, %jit3A_292, %sign3A_301 : i32
      %sign3A_303 = arith.extui %sign3A_302 : i1 to i32
      %sign3A_304 = arith.constant 0 : i32
      %sign3A_305 = arith.cmpi slt, %jit3A_292, %sign3A_304 : i32
      %sign3A_306 = arith.extui %sign3A_305 : i1 to i32
      %sign3A_307 = arith.subi %sign3A_303, %sign3A_306 : i32
      %ne3A_308 = arith.cmpi ne, %sign3A_300, %sign3A_307 : i32
      %rem3A_309 = arith.remsi %squeeze3A_291, %jit3A_292 : i32
      %ne3A_310 = arith.constant 0 : i32
      %ne3A_311 = arith.cmpi ne, %rem3A_309, %ne3A_310 : i32
      %and3A_312 = arith.andi %ne3A_308, %ne3A_311 : i1
      %sub3A_313 = arith.constant 1 : i32
      %sub3A_314 = arith.subi %div3A_293, %sub3A_313 : i32
      %select_n3A_315 = arith.select %and3A_312, %sub3A_314, %div3A_293 : i32
      %mul3A_316 = arith.constant 128 : i32
      %mul3A_317 = arith.muli %select_n3A_315, %mul3A_316 : i32
      %multiple_of3A_318 = tpu.assume_multiple %mul3A_317, 128 : i32
      %dma_start3A_319 = arith.constant 7 : i32
      %dma_start3A_320 = arith.constant 0 : i32
      %dma_start3A_321 = arith.constant 0 : i32
      %dma_start3A_322 = tpu.memref_slice %arg6[%dma_start3A_319, %dma_start3A_320, %dma_start3A_321] : memref<8x64x128xf32, #tpu.memory_space<vmem>> -> memref<1x64x128xf32, #tpu.memory_space<vmem>>
      %dma_start3A_323 = tpu.memref_squeeze %dma_start3A_322 : memref<1x64x128xf32, #tpu.memory_space<vmem>> -> memref<64x128xf32, #tpu.memory_space<vmem>>
      %dma_start3A_324 = arith.constant 0 : i32
      %dma_start3A_325 = tpu.memref_slice %arg3[%dma_start3A_324, %multiple_of3A_318] : memref<64x1000000xf32, #tpu.memory_space<hbm>> -> memref<64x128xf32, #tpu.memory_space<hbm>>
      %dma_start3A_326 = arith.constant 0 : i32
      %dma_start3A_327 = arith.constant 0 : i32
      %dma_start3A_328 = tpu.memref_slice %arg6[%dma_start3A_319, %dma_start3A_326, %dma_start3A_327] : memref<8x64x128xf32, #tpu.memory_space<vmem>> -> memref<1x64x128xf32, #tpu.memory_space<vmem>>
      %dma_start3A_329 = tpu.memref_squeeze %dma_start3A_328 : memref<1x64x128xf32, #tpu.memory_space<vmem>> -> memref<64x128xf32, #tpu.memory_space<vmem>>
      %dma_start3A_330 = arith.constant 0 : i32
      %dma_start3A_331 = tpu.memref_slice %arg3[%dma_start3A_330, %multiple_of3A_318] : memref<64x1000000xf32, #tpu.memory_space<hbm>> -> memref<64x128xf32, #tpu.memory_space<hbm>>
      tpu.enqueue_dma source(%dma_start3A_331 : memref<64x128xf32, #tpu.memory_space<hbm>>) target(%dma_start3A_329 : memref<64x128xf32, #tpu.memory_space<vmem>>) target_semaphore(%arg8 : memref<!tpu.dma_semaphore, #tpu.memory_space<semaphore_mem>>)
      %iota3A = tpu.iota {dimensions = array<i32: 0>} : vector<16xi32>
      %dma_wait3A = arith.constant 0 : i32
      %dma_wait3A_332 = arith.constant 0 : i32
      %dma_wait3A_333 = arith.constant 0 : i32
      %dma_wait3A_334 = tpu.memref_slice %arg6[%dma_wait3A, %dma_wait3A_332, %dma_wait3A_333] : memref<8x64x128xf32, #tpu.memory_space<vmem>> -> memref<1x64x128xf32, #tpu.memory_space<vmem>>
      %dma_wait3A_335 = tpu.memref_squeeze %dma_wait3A_334 : memref<1x64x128xf32, #tpu.memory_space<vmem>> -> memref<64x128xf32, #tpu.memory_space<vmem>>
      %dma_wait3A_336 = arith.constant 0 : i32
      %dma_wait3A_337 = tpu.memref_slice %arg3[%dma_wait3A_336, %multiple_of3A] : memref<64x1000000xf32, #tpu.memory_space<hbm>> -> memref<64x128xf32, #tpu.memory_space<hbm>>
      %dma_wait3A_338 = arith.constant 0 : i32
      %dma_wait3A_339 = arith.constant 0 : i32
      %dma_wait3A_340 = tpu.memref_slice %arg6[%dma_wait3A, %dma_wait3A_338, %dma_wait3A_339] : memref<8x64x128xf32, #tpu.memory_space<vmem>> -> memref<1x64x128xf32, #tpu.memory_space<vmem>>
      %dma_wait3A_341 = tpu.memref_squeeze %dma_wait3A_340 : memref<1x64x128xf32, #tpu.memory_space<vmem>> -> memref<64x128xf32, #tpu.memory_space<vmem>>
      %dma_wait3A_342 = arith.constant 0 : i32
      %dma_wait3A_343 = tpu.memref_slice %arg3[%dma_wait3A_342, %multiple_of3A] : memref<64x1000000xf32, #tpu.memory_space<hbm>> -> memref<64x128xf32, #tpu.memory_space<hbm>>
      tpu.wait_dma2 semaphore(%arg8 : memref<!tpu.dma_semaphore, #tpu.memory_space<semaphore_mem>>) src(%dma_wait3A_343 : memref<64x128xf32, #tpu.memory_space<hbm>>) dst(%dma_wait3A_341 : memref<64x128xf32, #tpu.memory_space<vmem>>)
      %slice3A_344 = vector.extract_strided_slice %get3A_7 {offsets = [0], sizes = [1], strides = [1]} : vector<16xi32> to vector<1xi32>
      %squeeze3A_345 = vector.extract %slice3A_344[0] : i32 from vector<1xi32>
      %jit3A_346 = arith.constant 128 : i32
      %eq3A = arith.constant 0 : i32
      %eq3A_347 = arith.cmpi eq, %jit3A_346, %eq3A : i32
      %jit3A_348 = arith.constant 1 : i32
      %select_n3A_349 = arith.select %eq3A_347, %jit3A_348, %jit3A_346 : i32
      %rem3A_350 = arith.remsi %squeeze3A_345, %select_n3A_349 : i32
      %ne3A_351 = arith.constant 0 : i32
      %ne3A_352 = arith.cmpi ne, %rem3A_350, %ne3A_351 : i32
      %lt3A_353 = arith.constant 0 : i32
      %lt3A_354 = arith.cmpi slt, %rem3A_350, %lt3A_353 : i32
      %lt3A_355 = arith.constant 0 : i32
      %lt3A_356 = arith.cmpi slt, %select_n3A_349, %lt3A_355 : i32
      %ne3A_357 = arith.xori %lt3A_354, %lt3A_356 : i1
      %and3A_358 = arith.andi %ne3A_357, %ne3A_352 : i1
      %add3A_359 = arith.addi %rem3A_350, %select_n3A_349 : i32
      %select_n3A_360 = arith.select %and3A_358, %add3A_359, %rem3A_350 : i32
      %broadcast_in_dim3A = vector.broadcast %select_n3A_360 : i32 to vector<16xi32>
      %add3A_361 = arith.constant 0 : i32
      %add3A_362 = vector.broadcast %add3A_361 : i32 to vector<16xi32>
      %add3A_363 = arith.addi %iota3A, %add3A_362 : vector<16xi32>
      %gather3A = arith.constant 0 : i32
      %gather3A_364 = arith.constant 0 : i32
      %gather3A_365 = arith.constant 0 : i32
      %gather3A_366 = tpu.memref_slice %arg6[%gather3A, %gather3A_364, %gather3A_365] : memref<8x64x128xf32, #tpu.memory_space<vmem>> -> memref<1x64x128xf32, #tpu.memory_space<vmem>>
      %gather3A_367 = tpu.memref_squeeze %gather3A_366 : memref<1x64x128xf32, #tpu.memory_space<vmem>> -> memref<64x128xf32, #tpu.memory_space<vmem>>
      %gather3A_368 = tpu.vector_load_idx %gather3A_367[%add3A_363, %broadcast_in_dim3A] : memref<64x128xf32, #tpu.memory_space<vmem>>[vector<16xi32>, vector<16xi32>], vector<16xf32>,
      %swap3A = arith.constant 0 : i32
      %swap3A_369 = arith.index_cast %swap3A : i32 to index
      %swap3A_370 = arith.constant 0 : index
      %swap3A_371 = tpu.vector_load %arg7[%swap3A_369, %swap3A_370] {strides = array<i32>} : memref<1x512xf32, #tpu.memory_space<vmem>>, vector<16xf32>,
      tpu.vector_store %arg7[%swap3A_369, %swap3A_370], %gather3A_368 {strides = array<i32>} : memref<1x512xf32, #tpu.memory_space<vmem>>, vector<16xf32>,
      %add3A_372 = arith.constant 16 : i32
      %add3A_373 = vector.broadcast %add3A_372 : i32 to vector<16xi32>
      %add3A_374 = arith.addi %iota3A, %add3A_373 : vector<16xi32>
      %gather3A_375 = arith.constant 0 : i32
      %gather3A_376 = arith.constant 0 : i32
      %gather3A_377 = arith.constant 0 : i32
      %gather3A_378 = tpu.memref_slice %arg6[%gather3A_375, %gather3A_376, %gather3A_377] : memref<8x64x128xf32, #tpu.memory_space<vmem>> -> memref<1x64x128xf32, #tpu.memory_space<vmem>>
      %gather3A_379 = tpu.memref_squeeze %gather3A_378 : memref<1x64x128xf32, #tpu.memory_space<vmem>> -> memref<64x128xf32, #tpu.memory_space<vmem>>
      %gather3A_380 = tpu.vector_load_idx %gather3A_379[%add3A_374, %broadcast_in_dim3A] : memref<64x128xf32, #tpu.memory_space<vmem>>[vector<16xi32>, vector<16xi32>], vector<16xf32>,
      %swap3A_381 = arith.constant 0 : i32
      %swap3A_382 = arith.index_cast %swap3A_381 : i32 to index
      %swap3A_383 = arith.constant 16 : index
      %swap3A_384 = tpu.vector_load %arg7[%swap3A_382, %swap3A_383] {strides = array<i32>} : memref<1x512xf32, #tpu.memory_space<vmem>>, vector<16xf32>,
      tpu.vector_store %arg7[%swap3A_382, %swap3A_383], %gather3A_380 {strides = array<i32>} : memref<1x512xf32, #tpu.memory_space<vmem>>, vector<16xf32>,
      %add3A_385 = arith.constant 32 : i32
      %add3A_386 = vector.broadcast %add3A_385 : i32 to vector<16xi32>
      %add3A_387 = arith.addi %iota3A, %add3A_386 : vector<16xi32>
      %gather3A_388 = arith.constant 0 : i32
      %gather3A_389 = arith.constant 0 : i32
      %gather3A_390 = arith.constant 0 : i32
      %gather3A_391 = tpu.memref_slice %arg6[%gather3A_388, %gather3A_389, %gather3A_390] : memref<8x64x128xf32, #tpu.memory_space<vmem>> -> memref<1x64x128xf32, #tpu.memory_space<vmem>>
      %gather3A_392 = tpu.memref_squeeze %gather3A_391 : memref<1x64x128xf32, #tpu.memory_space<vmem>> -> memref<64x128xf32, #tpu.memory_space<vmem>>
      %gather3A_393 = tpu.vector_load_idx %gather3A_392[%add3A_387, %broadcast_in_dim3A] : memref<64x128xf32, #tpu.memory_space<vmem>>[vector<16xi32>, vector<16xi32>], vector<16xf32>,
      %swap3A_394 = arith.constant 0 : i32
      %swap3A_395 = arith.index_cast %swap3A_394 : i32 to index
      %swap3A_396 = arith.constant 32 : index
      %swap3A_397 = tpu.vector_load %arg7[%swap3A_395, %swap3A_396] {strides = array<i32>} : memref<1x512xf32, #tpu.memory_space<vmem>>, vector<16xf32>,
      tpu.vector_store %arg7[%swap3A_395, %swap3A_396], %gather3A_393 {strides = array<i32>} : memref<1x512xf32, #tpu.memory_space<vmem>>, vector<16xf32>,
      %add3A_398 = arith.constant 48 : i32
      %add3A_399 = vector.broadcast %add3A_398 : i32 to vector<16xi32>
      %add3A_400 = arith.addi %iota3A, %add3A_399 : vector<16xi32>
      %gather3A_401 = arith.constant 0 : i32
      %gather3A_402 = arith.constant 0 : i32
      %gather3A_403 = arith.constant 0 : i32
      %gather3A_404 = tpu.memref_slice %arg6[%gather3A_401, %gather3A_402, %gather3A_403] : memref<8x64x128xf32, #tpu.memory_space<vmem>> -> memref<1x64x128xf32, #tpu.memory_space<vmem>>
      %gather3A_405 = tpu.memref_squeeze %gather3A_404 : memref<1x64x128xf32, #tpu.memory_space<vmem>> -> memref<64x128xf32, #tpu.memory_space<vmem>>
      %gather3A_406 = tpu.vector_load_idx %gather3A_405[%add3A_400, %broadcast_in_dim3A] : memref<64x128xf32, #tpu.memory_space<vmem>>[vector<16xi32>, vector<16xi32>], vector<16xf32>,
      %swap3A_407 = arith.constant 0 : i32
      %swap3A_408 = arith.index_cast %swap3A_407 : i32 to index
      %swap3A_409 = arith.constant 48 : index
      %swap3A_410 = tpu.vector_load %arg7[%swap3A_408, %swap3A_409] {strides = array<i32>} : memref<1x512xf32, #tpu.memory_space<vmem>>, vector<16xf32>,
      tpu.vector_store %arg7[%swap3A_408, %swap3A_409], %gather3A_406 {strides = array<i32>} : memref<1x512xf32, #tpu.memory_space<vmem>>, vector<16xf32>,
      %dma_wait3A_411 = arith.constant 1 : i32
      %dma_wait3A_412 = arith.constant 0 : i32
      %dma_wait3A_413 = arith.constant 0 : i32
      %dma_wait3A_414 = tpu.memref_slice %arg6[%dma_wait3A_411, %dma_wait3A_412, %dma_wait3A_413] : memref<8x64x128xf32, #tpu.memory_space<vmem>> -> memref<1x64x128xf32, #tpu.memory_space<vmem>>
      %dma_wait3A_415 = tpu.memref_squeeze %dma_wait3A_414 : memref<1x64x128xf32, #tpu.memory_space<vmem>> -> memref<64x128xf32, #tpu.memory_space<vmem>>
      %dma_wait3A_416 = arith.constant 0 : i32
      %dma_wait3A_417 = tpu.memref_slice %arg3[%dma_wait3A_416, %multiple_of3A_66] : memref<64x1000000xf32, #tpu.memory_space<hbm>> -> memref<64x128xf32, #tpu.memory_space<hbm>>
      %dma_wait3A_418 = arith.constant 0 : i32
      %dma_wait3A_419 = arith.constant 0 : i32
      %dma_wait3A_420 = tpu.memref_slice %arg6[%dma_wait3A_411, %dma_wait3A_418, %dma_wait3A_419] : memref<8x64x128xf32, #tpu.memory_space<vmem>> -> memref<1x64x128xf32, #tpu.memory_space<vmem>>
      %dma_wait3A_421 = tpu.memref_squeeze %dma_wait3A_420 : memref<1x64x128xf32, #tpu.memory_space<vmem>> -> memref<64x128xf32, #tpu.memory_space<vmem>>
      %dma_wait3A_422 = arith.constant 0 : i32
      %dma_wait3A_423 = tpu.memref_slice %arg3[%dma_wait3A_422, %multiple_of3A_66] : memref<64x1000000xf32, #tpu.memory_space<hbm>> -> memref<64x128xf32, #tpu.memory_space<hbm>>
      tpu.wait_dma2 semaphore(%arg8 : memref<!tpu.dma_semaphore, #tpu.memory_space<semaphore_mem>>) src(%dma_wait3A_423 : memref<64x128xf32, #tpu.memory_space<hbm>>) dst(%dma_wait3A_421 : memref<64x128xf32, #tpu.memory_space<vmem>>)
      %slice3A_424 = vector.extract_strided_slice %get3A_7 {offsets = [1], sizes = [1], strides = [1]} : vector<16xi32> to vector<1xi32>
      %squeeze3A_425 = vector.extract %slice3A_424[0] : i32 from vector<1xi32>
      %jit3A_426 = arith.constant 128 : i32
      %eq3A_427 = arith.constant 0 : i32
      %eq3A_428 = arith.cmpi eq, %jit3A_426, %eq3A_427 : i32
      %jit3A_429 = arith.constant 1 : i32
      %select_n3A_430 = arith.select %eq3A_428, %jit3A_429, %jit3A_426 : i32
      %rem3A_431 = arith.remsi %squeeze3A_425, %select_n3A_430 : i32
      %ne3A_432 = arith.constant 0 : i32
      %ne3A_433 = arith.cmpi ne, %rem3A_431, %ne3A_432 : i32
      %lt3A_434 = arith.constant 0 : i32
      %lt3A_435 = arith.cmpi slt, %rem3A_431, %lt3A_434 : i32
      %lt3A_436 = arith.constant 0 : i32
      %lt3A_437 = arith.cmpi slt, %select_n3A_430, %lt3A_436 : i32
      %ne3A_438 = arith.xori %lt3A_435, %lt3A_437 : i1
      %and3A_439 = arith.andi %ne3A_438, %ne3A_433 : i1
      %add3A_440 = arith.addi %rem3A_431, %select_n3A_430 : i32
      %select_n3A_441 = arith.select %and3A_439, %add3A_440, %rem3A_431 : i32
      %broadcast_in_dim3A_442 = vector.broadcast %select_n3A_441 : i32 to vector<16xi32>
      %add3A_443 = arith.constant 0 : i32
      %add3A_444 = vector.broadcast %add3A_443 : i32 to vector<16xi32>
      %add3A_445 = arith.addi %iota3A, %add3A_444 : vector<16xi32>
      %gather3A_446 = arith.constant 1 : i32
      %gather3A_447 = arith.constant 0 : i32
      %gather3A_448 = arith.constant 0 : i32
      %gather3A_449 = tpu.memref_slice %arg6[%gather3A_446, %gather3A_447, %gather3A_448] : memref<8x64x128xf32, #tpu.memory_space<vmem>> -> memref<1x64x128xf32, #tpu.memory_space<vmem>>
      %gather3A_450 = tpu.memref_squeeze %gather3A_449 : memref<1x64x128xf32, #tpu.memory_space<vmem>> -> memref<64x128xf32, #tpu.memory_space<vmem>>
      %gather3A_451 = tpu.vector_load_idx %gather3A_450[%add3A_445, %broadcast_in_dim3A_442] : memref<64x128xf32, #tpu.memory_space<vmem>>[vector<16xi32>, vector<16xi32>], vector<16xf32>,
      %swap3A_452 = arith.constant 0 : i32
      %swap3A_453 = arith.index_cast %swap3A_452 : i32 to index
      %swap3A_454 = arith.constant 64 : index
      %swap3A_455 = tpu.vector_load %arg7[%swap3A_453, %swap3A_454] {strides = array<i32>} : memref<1x512xf32, #tpu.memory_space<vmem>>, vector<16xf32>,
      tpu.vector_store %arg7[%swap3A_453, %swap3A_454], %gather3A_451 {strides = array<i32>} : memref<1x512xf32, #tpu.memory_space<vmem>>, vector<16xf32>,
      %add3A_456 = arith.constant 16 : i32
      %add3A_457 = vector.broadcast %add3A_456 : i32 to vector<16xi32>
      %add3A_458 = arith.addi %iota3A, %add3A_457 : vector<16xi32>
      %gather3A_459 = arith.constant 1 : i32
      %gather3A_460 = arith.constant 0 : i32
      %gather3A_461 = arith.constant 0 : i32
      %gather3A_462 = tpu.memref_slice %arg6[%gather3A_459, %gather3A_460, %gather3A_461] : memref<8x64x128xf32, #tpu.memory_space<vmem>> -> memref<1x64x128xf32, #tpu.memory_space<vmem>>
      %gather3A_463 = tpu.memref_squeeze %gather3A_462 : memref<1x64x128xf32, #tpu.memory_space<vmem>> -> memref<64x128xf32, #tpu.memory_space<vmem>>
      %gather3A_464 = tpu.vector_load_idx %gather3A_463[%add3A_458, %broadcast_in_dim3A_442] : memref<64x128xf32, #tpu.memory_space<vmem>>[vector<16xi32>, vector<16xi32>], vector<16xf32>,
      %swap3A_465 = arith.constant 0 : i32
      %swap3A_466 = arith.index_cast %swap3A_465 : i32 to index
      %swap3A_467 = arith.constant 80 : index
      %swap3A_468 = tpu.vector_load %arg7[%swap3A_466, %swap3A_467] {strides = array<i32>} : memref<1x512xf32, #tpu.memory_space<vmem>>, vector<16xf32>,
      tpu.vector_store %arg7[%swap3A_466, %swap3A_467], %gather3A_464 {strides = array<i32>} : memref<1x512xf32, #tpu.memory_space<vmem>>, vector<16xf32>,
      %add3A_469 = arith.constant 32 : i32
      %add3A_470 = vector.broadcast %add3A_469 : i32 to vector<16xi32>
      %add3A_471 = arith.addi %iota3A, %add3A_470 : vector<16xi32>
      %gather3A_472 = arith.constant 1 : i32
      %gather3A_473 = arith.constant 0 : i32
      %gather3A_474 = arith.constant 0 : i32
      %gather3A_475 = tpu.memref_slice %arg6[%gather3A_472, %gather3A_473, %gather3A_474] : memref<8x64x128xf32, #tpu.memory_space<vmem>> -> memref<1x64x128xf32, #tpu.memory_space<vmem>>
      %gather3A_476 = tpu.memref_squeeze %gather3A_475 : memref<1x64x128xf32, #tpu.memory_space<vmem>> -> memref<64x128xf32, #tpu.memory_space<vmem>>
      %gather3A_477 = tpu.vector_load_idx %gather3A_476[%add3A_471, %broadcast_in_dim3A_442] : memref<64x128xf32, #tpu.memory_space<vmem>>[vector<16xi32>, vector<16xi32>], vector<16xf32>,
      %swap3A_478 = arith.constant 0 : i32
      %swap3A_479 = arith.index_cast %swap3A_478 : i32 to index
      %swap3A_480 = arith.constant 96 : index
      %swap3A_481 = tpu.vector_load %arg7[%swap3A_479, %swap3A_480] {strides = array<i32>} : memref<1x512xf32, #tpu.memory_space<vmem>>, vector<16xf32>,
      tpu.vector_store %arg7[%swap3A_479, %swap3A_480], %gather3A_477 {strides = array<i32>} : memref<1x512xf32, #tpu.memory_space<vmem>>, vector<16xf32>,
      %add3A_482 = arith.constant 48 : i32
      %add3A_483 = vector.broadcast %add3A_482 : i32 to vector<16xi32>
      %add3A_484 = arith.addi %iota3A, %add3A_483 : vector<16xi32>
      %gather3A_485 = arith.constant 1 : i32
      %gather3A_486 = arith.constant 0 : i32
      %gather3A_487 = arith.constant 0 : i32
      %gather3A_488 = tpu.memref_slice %arg6[%gather3A_485, %gather3A_486, %gather3A_487] : memref<8x64x128xf32, #tpu.memory_space<vmem>> -> memref<1x64x128xf32, #tpu.memory_space<vmem>>
      %gather3A_489 = tpu.memref_squeeze %gather3A_488 : memref<1x64x128xf32, #tpu.memory_space<vmem>> -> memref<64x128xf32, #tpu.memory_space<vmem>>
      %gather3A_490 = tpu.vector_load_idx %gather3A_489[%add3A_484, %broadcast_in_dim3A_442] : memref<64x128xf32, #tpu.memory_space<vmem>>[vector<16xi32>, vector<16xi32>], vector<16xf32>,
      %swap3A_491 = arith.constant 0 : i32
      %swap3A_492 = arith.index_cast %swap3A_491 : i32 to index
      %swap3A_493 = arith.constant 112 : index
      %swap3A_494 = tpu.vector_load %arg7[%swap3A_492, %swap3A_493] {strides = array<i32>} : memref<1x512xf32, #tpu.memory_space<vmem>>, vector<16xf32>,
      tpu.vector_store %arg7[%swap3A_492, %swap3A_493], %gather3A_490 {strides = array<i32>} : memref<1x512xf32, #tpu.memory_space<vmem>>, vector<16xf32>,
      %dma_wait3A_495 = arith.constant 2 : i32
      %dma_wait3A_496 = arith.constant 0 : i32
      %dma_wait3A_497 = arith.constant 0 : i32
      %dma_wait3A_498 = tpu.memref_slice %arg6[%dma_wait3A_495, %dma_wait3A_496, %dma_wait3A_497] : memref<8x64x128xf32, #tpu.memory_space<vmem>> -> memref<1x64x128xf32, #tpu.memory_space<vmem>>
      %dma_wait3A_499 = tpu.memref_squeeze %dma_wait3A_498 : memref<1x64x128xf32, #tpu.memory_space<vmem>> -> memref<64x128xf32, #tpu.memory_space<vmem>>
      %dma_wait3A_500 = arith.constant 0 : i32
      %dma_wait3A_501 = tpu.memref_slice %arg3[%dma_wait3A_500, %multiple_of3A_108] : memref<64x1000000xf32, #tpu.memory_space<hbm>> -> memref<64x128xf32, #tpu.memory_space<hbm>>
      %dma_wait3A_502 = arith.constant 0 : i32
      %dma_wait3A_503 = arith.constant 0 : i32
      %dma_wait3A_504 = tpu.memref_slice %arg6[%dma_wait3A_495, %dma_wait3A_502, %dma_wait3A_503] : memref<8x64x128xf32, #tpu.memory_space<vmem>> -> memref<1x64x128xf32, #tpu.memory_space<vmem>>
      %dma_wait3A_505 = tpu.memref_squeeze %dma_wait3A_504 : memref<1x64x128xf32, #tpu.memory_space<vmem>> -> memref<64x128xf32, #tpu.memory_space<vmem>>
      %dma_wait3A_506 = arith.constant 0 : i32
      %dma_wait3A_507 = tpu.memref_slice %arg3[%dma_wait3A_506, %multiple_of3A_108] : memref<64x1000000xf32, #tpu.memory_space<hbm>> -> memref<64x128xf32, #tpu.memory_space<hbm>>
      tpu.wait_dma2 semaphore(%arg8 : memref<!tpu.dma_semaphore, #tpu.memory_space<semaphore_mem>>) src(%dma_wait3A_507 : memref<64x128xf32, #tpu.memory_space<hbm>>) dst(%dma_wait3A_505 : memref<64x128xf32, #tpu.memory_space<vmem>>)
      %slice3A_508 = vector.extract_strided_slice %get3A_7 {offsets = [2], sizes = [1], strides = [1]} : vector<16xi32> to vector<1xi32>
      %squeeze3A_509 = vector.extract %slice3A_508[0] : i32 from vector<1xi32>
      %jit3A_510 = arith.constant 128 : i32
      %eq3A_511 = arith.constant 0 : i32
      %eq3A_512 = arith.cmpi eq, %jit3A_510, %eq3A_511 : i32
      %jit3A_513 = arith.constant 1 : i32
      %select_n3A_514 = arith.select %eq3A_512, %jit3A_513, %jit3A_510 : i32
      %rem3A_515 = arith.remsi %squeeze3A_509, %select_n3A_514 : i32
      %ne3A_516 = arith.constant 0 : i32
      %ne3A_517 = arith.cmpi ne, %rem3A_515, %ne3A_516 : i32
      %lt3A_518 = arith.constant 0 : i32
      %lt3A_519 = arith.cmpi slt, %rem3A_515, %lt3A_518 : i32
      %lt3A_520 = arith.constant 0 : i32
      %lt3A_521 = arith.cmpi slt, %select_n3A_514, %lt3A_520 : i32
      %ne3A_522 = arith.xori %lt3A_519, %lt3A_521 : i1
      %and3A_523 = arith.andi %ne3A_522, %ne3A_517 : i1
      %add3A_524 = arith.addi %rem3A_515, %select_n3A_514 : i32
      %select_n3A_525 = arith.select %and3A_523, %add3A_524, %rem3A_515 : i32
      %broadcast_in_dim3A_526 = vector.broadcast %select_n3A_525 : i32 to vector<16xi32>
      %add3A_527 = arith.constant 0 : i32
      %add3A_528 = vector.broadcast %add3A_527 : i32 to vector<16xi32>
      %add3A_529 = arith.addi %iota3A, %add3A_528 : vector<16xi32>
      %gather3A_530 = arith.constant 2 : i32
      %gather3A_531 = arith.constant 0 : i32
      %gather3A_532 = arith.constant 0 : i32
      %gather3A_533 = tpu.memref_slice %arg6[%gather3A_530, %gather3A_531, %gather3A_532] : memref<8x64x128xf32, #tpu.memory_space<vmem>> -> memref<1x64x128xf32, #tpu.memory_space<vmem>>
      %gather3A_534 = tpu.memref_squeeze %gather3A_533 : memref<1x64x128xf32, #tpu.memory_space<vmem>> -> memref<64x128xf32, #tpu.memory_space<vmem>>
      %gather3A_535 = tpu.vector_load_idx %gather3A_534[%add3A_529, %broadcast_in_dim3A_526] : memref<64x128xf32, #tpu.memory_space<vmem>>[vector<16xi32>, vector<16xi32>], vector<16xf32>,
      %swap3A_536 = arith.constant 0 : i32
      %swap3A_537 = arith.index_cast %swap3A_536 : i32 to index
      %swap3A_538 = arith.constant 128 : index
      %swap3A_539 = tpu.vector_load %arg7[%swap3A_537, %swap3A_538] {strides = array<i32>} : memref<1x512xf32, #tpu.memory_space<vmem>>, vector<16xf32>,
      tpu.vector_store %arg7[%swap3A_537, %swap3A_538], %gather3A_535 {strides = array<i32>} : memref<1x512xf32, #tpu.memory_space<vmem>>, vector<16xf32>,
      %add3A_540 = arith.constant 16 : i32
      %add3A_541 = vector.broadcast %add3A_540 : i32 to vector<16xi32>
      %add3A_542 = arith.addi %iota3A, %add3A_541 : vector<16xi32>
      %gather3A_543 = arith.constant 2 : i32
      %gather3A_544 = arith.constant 0 : i32
      %gather3A_545 = arith.constant 0 : i32
      %gather3A_546 = tpu.memref_slice %arg6[%gather3A_543, %gather3A_544, %gather3A_545] : memref<8x64x128xf32, #tpu.memory_space<vmem>> -> memref<1x64x128xf32, #tpu.memory_space<vmem>>
      %gather3A_547 = tpu.memref_squeeze %gather3A_546 : memref<1x64x128xf32, #tpu.memory_space<vmem>> -> memref<64x128xf32, #tpu.memory_space<vmem>>
      %gather3A_548 = tpu.vector_load_idx %gather3A_547[%add3A_542, %broadcast_in_dim3A_526] : memref<64x128xf32, #tpu.memory_space<vmem>>[vector<16xi32>, vector<16xi32>], vector<16xf32>,
      %swap3A_549 = arith.constant 0 : i32
      %swap3A_550 = arith.index_cast %swap3A_549 : i32 to index
      %swap3A_551 = arith.constant 144 : index
      %swap3A_552 = tpu.vector_load %arg7[%swap3A_550, %swap3A_551] {strides = array<i32>} : memref<1x512xf32, #tpu.memory_space<vmem>>, vector<16xf32>,
      tpu.vector_store %arg7[%swap3A_550, %swap3A_551], %gather3A_548 {strides = array<i32>} : memref<1x512xf32, #tpu.memory_space<vmem>>, vector<16xf32>,
      %add3A_553 = arith.constant 32 : i32
      %add3A_554 = vector.broadcast %add3A_553 : i32 to vector<16xi32>
      %add3A_555 = arith.addi %iota3A, %add3A_554 : vector<16xi32>
      %gather3A_556 = arith.constant 2 : i32
      %gather3A_557 = arith.constant 0 : i32
      %gather3A_558 = arith.constant 0 : i32
      %gather3A_559 = tpu.memref_slice %arg6[%gather3A_556, %gather3A_557, %gather3A_558] : memref<8x64x128xf32, #tpu.memory_space<vmem>> -> memref<1x64x128xf32, #tpu.memory_space<vmem>>
      %gather3A_560 = tpu.memref_squeeze %gather3A_559 : memref<1x64x128xf32, #tpu.memory_space<vmem>> -> memref<64x128xf32, #tpu.memory_space<vmem>>
      %gather3A_561 = tpu.vector_load_idx %gather3A_560[%add3A_555, %broadcast_in_dim3A_526] : memref<64x128xf32, #tpu.memory_space<vmem>>[vector<16xi32>, vector<16xi32>], vector<16xf32>,
      %swap3A_562 = arith.constant 0 : i32
      %swap3A_563 = arith.index_cast %swap3A_562 : i32 to index
      %swap3A_564 = arith.constant 160 : index
      %swap3A_565 = tpu.vector_load %arg7[%swap3A_563, %swap3A_564] {strides = array<i32>} : memref<1x512xf32, #tpu.memory_space<vmem>>, vector<16xf32>,
      tpu.vector_store %arg7[%swap3A_563, %swap3A_564], %gather3A_561 {strides = array<i32>} : memref<1x512xf32, #tpu.memory_space<vmem>>, vector<16xf32>,
      %add3A_566 = arith.constant 48 : i32
      %add3A_567 = vector.broadcast %add3A_566 : i32 to vector<16xi32>
      %add3A_568 = arith.addi %iota3A, %add3A_567 : vector<16xi32>
      %gather3A_569 = arith.constant 2 : i32
      %gather3A_570 = arith.constant 0 : i32
      %gather3A_571 = arith.constant 0 : i32
      %gather3A_572 = tpu.memref_slice %arg6[%gather3A_569, %gather3A_570, %gather3A_571] : memref<8x64x128xf32, #tpu.memory_space<vmem>> -> memref<1x64x128xf32, #tpu.memory_space<vmem>>
      %gather3A_573 = tpu.memref_squeeze %gather3A_572 : memref<1x64x128xf32, #tpu.memory_space<vmem>> -> memref<64x128xf32, #tpu.memory_space<vmem>>
      %gather3A_574 = tpu.vector_load_idx %gather3A_573[%add3A_568, %broadcast_in_dim3A_526] : memref<64x128xf32, #tpu.memory_space<vmem>>[vector<16xi32>, vector<16xi32>], vector<16xf32>,
      %swap3A_575 = arith.constant 0 : i32
      %swap3A_576 = arith.index_cast %swap3A_575 : i32 to index
      %swap3A_577 = arith.constant 176 : index
      %swap3A_578 = tpu.vector_load %arg7[%swap3A_576, %swap3A_577] {strides = array<i32>} : memref<1x512xf32, #tpu.memory_space<vmem>>, vector<16xf32>,
      tpu.vector_store %arg7[%swap3A_576, %swap3A_577], %gather3A_574 {strides = array<i32>} : memref<1x512xf32, #tpu.memory_space<vmem>>, vector<16xf32>,
      %dma_wait3A_579 = arith.constant 3 : i32
      %dma_wait3A_580 = arith.constant 0 : i32
      %dma_wait3A_581 = arith.constant 0 : i32
      %dma_wait3A_582 = tpu.memref_slice %arg6[%dma_wait3A_579, %dma_wait3A_580, %dma_wait3A_581] : memref<8x64x128xf32, #tpu.memory_space<vmem>> -> memref<1x64x128xf32, #tpu.memory_space<vmem>>
      %dma_wait3A_583 = tpu.memref_squeeze %dma_wait3A_582 : memref<1x64x128xf32, #tpu.memory_space<vmem>> -> memref<64x128xf32, #tpu.memory_space<vmem>>
      %dma_wait3A_584 = arith.constant 0 : i32
      %dma_wait3A_585 = tpu.memref_slice %arg3[%dma_wait3A_584, %multiple_of3A_150] : memref<64x1000000xf32, #tpu.memory_space<hbm>> -> memref<64x128xf32, #tpu.memory_space<hbm>>
      %dma_wait3A_586 = arith.constant 0 : i32
      %dma_wait3A_587 = arith.constant 0 : i32
      %dma_wait3A_588 = tpu.memref_slice %arg6[%dma_wait3A_579, %dma_wait3A_586, %dma_wait3A_587] : memref<8x64x128xf32, #tpu.memory_space<vmem>> -> memref<1x64x128xf32, #tpu.memory_space<vmem>>
      %dma_wait3A_589 = tpu.memref_squeeze %dma_wait3A_588 : memref<1x64x128xf32, #tpu.memory_space<vmem>> -> memref<64x128xf32, #tpu.memory_space<vmem>>
      %dma_wait3A_590 = arith.constant 0 : i32
      %dma_wait3A_591 = tpu.memref_slice %arg3[%dma_wait3A_590, %multiple_of3A_150] : memref<64x1000000xf32, #tpu.memory_space<hbm>> -> memref<64x128xf32, #tpu.memory_space<hbm>>
      tpu.wait_dma2 semaphore(%arg8 : memref<!tpu.dma_semaphore, #tpu.memory_space<semaphore_mem>>) src(%dma_wait3A_591 : memref<64x128xf32, #tpu.memory_space<hbm>>) dst(%dma_wait3A_589 : memref<64x128xf32, #tpu.memory_space<vmem>>)
      %slice3A_592 = vector.extract_strided_slice %get3A_7 {offsets = [3], sizes = [1], strides = [1]} : vector<16xi32> to vector<1xi32>
      %squeeze3A_593 = vector.extract %slice3A_592[0] : i32 from vector<1xi32>
      %jit3A_594 = arith.constant 128 : i32
      %eq3A_595 = arith.constant 0 : i32
      %eq3A_596 = arith.cmpi eq, %jit3A_594, %eq3A_595 : i32
      %jit3A_597 = arith.constant 1 : i32
      %select_n3A_598 = arith.select %eq3A_596, %jit3A_597, %jit3A_594 : i32
      %rem3A_599 = arith.remsi %squeeze3A_593, %select_n3A_598 : i32
      %ne3A_600 = arith.constant 0 : i32
      %ne3A_601 = arith.cmpi ne, %rem3A_599, %ne3A_600 : i32
      %lt3A_602 = arith.constant 0 : i32
      %lt3A_603 = arith.cmpi slt, %rem3A_599, %lt3A_602 : i32
      %lt3A_604 = arith.constant 0 : i32
      %lt3A_605 = arith.cmpi slt, %select_n3A_598, %lt3A_604 : i32
      %ne3A_606 = arith.xori %lt3A_603, %lt3A_605 : i1
      %and3A_607 = arith.andi %ne3A_606, %ne3A_601 : i1
      %add3A_608 = arith.addi %rem3A_599, %select_n3A_598 : i32
      %select_n3A_609 = arith.select %and3A_607, %add3A_608, %rem3A_599 : i32
      %broadcast_in_dim3A_610 = vector.broadcast %select_n3A_609 : i32 to vector<16xi32>
      %add3A_611 = arith.constant 0 : i32
      %add3A_612 = vector.broadcast %add3A_611 : i32 to vector<16xi32>
      %add3A_613 = arith.addi %iota3A, %add3A_612 : vector<16xi32>
      %gather3A_614 = arith.constant 3 : i32
      %gather3A_615 = arith.constant 0 : i32
      %gather3A_616 = arith.constant 0 : i32
      %gather3A_617 = tpu.memref_slice %arg6[%gather3A_614, %gather3A_615, %gather3A_616] : memref<8x64x128xf32, #tpu.memory_space<vmem>> -> memref<1x64x128xf32, #tpu.memory_space<vmem>>
      %gather3A_618 = tpu.memref_squeeze %gather3A_617 : memref<1x64x128xf32, #tpu.memory_space<vmem>> -> memref<64x128xf32, #tpu.memory_space<vmem>>
      %gather3A_619 = tpu.vector_load_idx %gather3A_618[%add3A_613, %broadcast_in_dim3A_610] : memref<64x128xf32, #tpu.memory_space<vmem>>[vector<16xi32>, vector<16xi32>], vector<16xf32>,
      %swap3A_620 = arith.constant 0 : i32
      %swap3A_621 = arith.index_cast %swap3A_620 : i32 to index
      %swap3A_622 = arith.constant 192 : index
      %swap3A_623 = tpu.vector_load %arg7[%swap3A_621, %swap3A_622] {strides = array<i32>} : memref<1x512xf32, #tpu.memory_space<vmem>>, vector<16xf32>,
      tpu.vector_store %arg7[%swap3A_621, %swap3A_622], %gather3A_619 {strides = array<i32>} : memref<1x512xf32, #tpu.memory_space<vmem>>, vector<16xf32>,
      %add3A_624 = arith.constant 16 : i32
      %add3A_625 = vector.broadcast %add3A_624 : i32 to vector<16xi32>
      %add3A_626 = arith.addi %iota3A, %add3A_625 : vector<16xi32>
      %gather3A_627 = arith.constant 3 : i32
      %gather3A_628 = arith.constant 0 : i32
      %gather3A_629 = arith.constant 0 : i32
      %gather3A_630 = tpu.memref_slice %arg6[%gather3A_627, %gather3A_628, %gather3A_629] : memref<8x64x128xf32, #tpu.memory_space<vmem>> -> memref<1x64x128xf32, #tpu.memory_space<vmem>>
      %gather3A_631 = tpu.memref_squeeze %gather3A_630 : memref<1x64x128xf32, #tpu.memory_space<vmem>> -> memref<64x128xf32, #tpu.memory_space<vmem>>
      %gather3A_632 = tpu.vector_load_idx %gather3A_631[%add3A_626, %broadcast_in_dim3A_610] : memref<64x128xf32, #tpu.memory_space<vmem>>[vector<16xi32>, vector<16xi32>], vector<16xf32>,
      %swap3A_633 = arith.constant 0 : i32
      %swap3A_634 = arith.index_cast %swap3A_633 : i32 to index
      %swap3A_635 = arith.constant 208 : index
      %swap3A_636 = tpu.vector_load %arg7[%swap3A_634, %swap3A_635] {strides = array<i32>} : memref<1x512xf32, #tpu.memory_space<vmem>>, vector<16xf32>,
      tpu.vector_store %arg7[%swap3A_634, %swap3A_635], %gather3A_632 {strides = array<i32>} : memref<1x512xf32, #tpu.memory_space<vmem>>, vector<16xf32>,
      %add3A_637 = arith.constant 32 : i32
      %add3A_638 = vector.broadcast %add3A_637 : i32 to vector<16xi32>
      %add3A_639 = arith.addi %iota3A, %add3A_638 : vector<16xi32>
      %gather3A_640 = arith.constant 3 : i32
      %gather3A_641 = arith.constant 0 : i32
      %gather3A_642 = arith.constant 0 : i32
      %gather3A_643 = tpu.memref_slice %arg6[%gather3A_640, %gather3A_641, %gather3A_642] : memref<8x64x128xf32, #tpu.memory_space<vmem>> -> memref<1x64x128xf32, #tpu.memory_space<vmem>>
      %gather3A_644 = tpu.memref_squeeze %gather3A_643 : memref<1x64x128xf32, #tpu.memory_space<vmem>> -> memref<64x128xf32, #tpu.memory_space<vmem>>
      %gather3A_645 = tpu.vector_load_idx %gather3A_644[%add3A_639, %broadcast_in_dim3A_610] : memref<64x128xf32, #tpu.memory_space<vmem>>[vector<16xi32>, vector<16xi32>], vector<16xf32>,
      %swap3A_646 = arith.constant 0 : i32
      %swap3A_647 = arith.index_cast %swap3A_646 : i32 to index
      %swap3A_648 = arith.constant 224 : index
      %swap3A_649 = tpu.vector_load %arg7[%swap3A_647, %swap3A_648] {strides = array<i32>} : memref<1x512xf32, #tpu.memory_space<vmem>>, vector<16xf32>,
      tpu.vector_store %arg7[%swap3A_647, %swap3A_648], %gather3A_645 {strides = array<i32>} : memref<1x512xf32, #tpu.memory_space<vmem>>, vector<16xf32>,
      %add3A_650 = arith.constant 48 : i32
      %add3A_651 = vector.broadcast %add3A_650 : i32 to vector<16xi32>
      %add3A_652 = arith.addi %iota3A, %add3A_651 : vector<16xi32>
      %gather3A_653 = arith.constant 3 : i32
      %gather3A_654 = arith.constant 0 : i32
      %gather3A_655 = arith.constant 0 : i32
      %gather3A_656 = tpu.memref_slice %arg6[%gather3A_653, %gather3A_654, %gather3A_655] : memref<8x64x128xf32, #tpu.memory_space<vmem>> -> memref<1x64x128xf32, #tpu.memory_space<vmem>>
      %gather3A_657 = tpu.memref_squeeze %gather3A_656 : memref<1x64x128xf32, #tpu.memory_space<vmem>> -> memref<64x128xf32, #tpu.memory_space<vmem>>
      %gather3A_658 = tpu.vector_load_idx %gather3A_657[%add3A_652, %broadcast_in_dim3A_610] : memref<64x128xf32, #tpu.memory_space<vmem>>[vector<16xi32>, vector<16xi32>], vector<16xf32>,
      %swap3A_659 = arith.constant 0 : i32
      %swap3A_660 = arith.index_cast %swap3A_659 : i32 to index
      %swap3A_661 = arith.constant 240 : index
      %swap3A_662 = tpu.vector_load %arg7[%swap3A_660, %swap3A_661] {strides = array<i32>} : memref<1x512xf32, #tpu.memory_space<vmem>>, vector<16xf32>,
      tpu.vector_store %arg7[%swap3A_660, %swap3A_661], %gather3A_658 {strides = array<i32>} : memref<1x512xf32, #tpu.memory_space<vmem>>, vector<16xf32>,
      %dma_wait3A_663 = arith.constant 4 : i32
      %dma_wait3A_664 = arith.constant 0 : i32
      %dma_wait3A_665 = arith.constant 0 : i32
      %dma_wait3A_666 = tpu.memref_slice %arg6[%dma_wait3A_663, %dma_wait3A_664, %dma_wait3A_665] : memref<8x64x128xf32, #tpu.memory_space<vmem>> -> memref<1x64x128xf32, #tpu.memory_space<vmem>>
      %dma_wait3A_667 = tpu.memref_squeeze %dma_wait3A_666 : memref<1x64x128xf32, #tpu.memory_space<vmem>> -> memref<64x128xf32, #tpu.memory_space<vmem>>
      %dma_wait3A_668 = arith.constant 0 : i32
      %dma_wait3A_669 = tpu.memref_slice %arg3[%dma_wait3A_668, %multiple_of3A_192] : memref<64x1000000xf32, #tpu.memory_space<hbm>> -> memref<64x128xf32, #tpu.memory_space<hbm>>
      %dma_wait3A_670 = arith.constant 0 : i32
      %dma_wait3A_671 = arith.constant 0 : i32
      %dma_wait3A_672 = tpu.memref_slice %arg6[%dma_wait3A_663, %dma_wait3A_670, %dma_wait3A_671] : memref<8x64x128xf32, #tpu.memory_space<vmem>> -> memref<1x64x128xf32, #tpu.memory_space<vmem>>
      %dma_wait3A_673 = tpu.memref_squeeze %dma_wait3A_672 : memref<1x64x128xf32, #tpu.memory_space<vmem>> -> memref<64x128xf32, #tpu.memory_space<vmem>>
      %dma_wait3A_674 = arith.constant 0 : i32
      %dma_wait3A_675 = tpu.memref_slice %arg3[%dma_wait3A_674, %multiple_of3A_192] : memref<64x1000000xf32, #tpu.memory_space<hbm>> -> memref<64x128xf32, #tpu.memory_space<hbm>>
      tpu.wait_dma2 semaphore(%arg8 : memref<!tpu.dma_semaphore, #tpu.memory_space<semaphore_mem>>) src(%dma_wait3A_675 : memref<64x128xf32, #tpu.memory_space<hbm>>) dst(%dma_wait3A_673 : memref<64x128xf32, #tpu.memory_space<vmem>>)
      %slice3A_676 = vector.extract_strided_slice %get3A_7 {offsets = [4], sizes = [1], strides = [1]} : vector<16xi32> to vector<1xi32>
      %squeeze3A_677 = vector.extract %slice3A_676[0] : i32 from vector<1xi32>
      %jit3A_678 = arith.constant 128 : i32
      %eq3A_679 = arith.constant 0 : i32
      %eq3A_680 = arith.cmpi eq, %jit3A_678, %eq3A_679 : i32
      %jit3A_681 = arith.constant 1 : i32
      %select_n3A_682 = arith.select %eq3A_680, %jit3A_681, %jit3A_678 : i32
      %rem3A_683 = arith.remsi %squeeze3A_677, %select_n3A_682 : i32
      %ne3A_684 = arith.constant 0 : i32
      %ne3A_685 = arith.cmpi ne, %rem3A_683, %ne3A_684 : i32
      %lt3A_686 = arith.constant 0 : i32
      %lt3A_687 = arith.cmpi slt, %rem3A_683, %lt3A_686 : i32
      %lt3A_688 = arith.constant 0 : i32
      %lt3A_689 = arith.cmpi slt, %select_n3A_682, %lt3A_688 : i32
      %ne3A_690 = arith.xori %lt3A_687, %lt3A_689 : i1
      %and3A_691 = arith.andi %ne3A_690, %ne3A_685 : i1
      %add3A_692 = arith.addi %rem3A_683, %select_n3A_682 : i32
      %select_n3A_693 = arith.select %and3A_691, %add3A_692, %rem3A_683 : i32
      %broadcast_in_dim3A_694 = vector.broadcast %select_n3A_693 : i32 to vector<16xi32>
      %add3A_695 = arith.constant 0 : i32
      %add3A_696 = vector.broadcast %add3A_695 : i32 to vector<16xi32>
      %add3A_697 = arith.addi %iota3A, %add3A_696 : vector<16xi32>
      %gather3A_698 = arith.constant 4 : i32
      %gather3A_699 = arith.constant 0 : i32
      %gather3A_700 = arith.constant 0 : i32
      %gather3A_701 = tpu.memref_slice %arg6[%gather3A_698, %gather3A_699, %gather3A_700] : memref<8x64x128xf32, #tpu.memory_space<vmem>> -> memref<1x64x128xf32, #tpu.memory_space<vmem>>
      %gather3A_702 = tpu.memref_squeeze %gather3A_701 : memref<1x64x128xf32, #tpu.memory_space<vmem>> -> memref<64x128xf32, #tpu.memory_space<vmem>>
      %gather3A_703 = tpu.vector_load_idx %gather3A_702[%add3A_697, %broadcast_in_dim3A_694] : memref<64x128xf32, #tpu.memory_space<vmem>>[vector<16xi32>, vector<16xi32>], vector<16xf32>,
      %swap3A_704 = arith.constant 0 : i32
      %swap3A_705 = arith.index_cast %swap3A_704 : i32 to index
      %swap3A_706 = arith.constant 256 : index
      %swap3A_707 = tpu.vector_load %arg7[%swap3A_705, %swap3A_706] {strides = array<i32>} : memref<1x512xf32, #tpu.memory_space<vmem>>, vector<16xf32>,
      tpu.vector_store %arg7[%swap3A_705, %swap3A_706], %gather3A_703 {strides = array<i32>} : memref<1x512xf32, #tpu.memory_space<vmem>>, vector<16xf32>,
      %add3A_708 = arith.constant 16 : i32
      %add3A_709 = vector.broadcast %add3A_708 : i32 to vector<16xi32>
      %add3A_710 = arith.addi %iota3A, %add3A_709 : vector<16xi32>
      %gather3A_711 = arith.constant 4 : i32
      %gather3A_712 = arith.constant 0 : i32
      %gather3A_713 = arith.constant 0 : i32
      %gather3A_714 = tpu.memref_slice %arg6[%gather3A_711, %gather3A_712, %gather3A_713] : memref<8x64x128xf32, #tpu.memory_space<vmem>> -> memref<1x64x128xf32, #tpu.memory_space<vmem>>
      %gather3A_715 = tpu.memref_squeeze %gather3A_714 : memref<1x64x128xf32, #tpu.memory_space<vmem>> -> memref<64x128xf32, #tpu.memory_space<vmem>>
      %gather3A_716 = tpu.vector_load_idx %gather3A_715[%add3A_710, %broadcast_in_dim3A_694] : memref<64x128xf32, #tpu.memory_space<vmem>>[vector<16xi32>, vector<16xi32>], vector<16xf32>,
      %swap3A_717 = arith.constant 0 : i32
      %swap3A_718 = arith.index_cast %swap3A_717 : i32 to index
      %swap3A_719 = arith.constant 272 : index
      %swap3A_720 = tpu.vector_load %arg7[%swap3A_718, %swap3A_719] {strides = array<i32>} : memref<1x512xf32, #tpu.memory_space<vmem>>, vector<16xf32>,
      tpu.vector_store %arg7[%swap3A_718, %swap3A_719], %gather3A_716 {strides = array<i32>} : memref<1x512xf32, #tpu.memory_space<vmem>>, vector<16xf32>,
      %add3A_721 = arith.constant 32 : i32
      %add3A_722 = vector.broadcast %add3A_721 : i32 to vector<16xi32>
      %add3A_723 = arith.addi %iota3A, %add3A_722 : vector<16xi32>
      %gather3A_724 = arith.constant 4 : i32
      %gather3A_725 = arith.constant 0 : i32
      %gather3A_726 = arith.constant 0 : i32
      %gather3A_727 = tpu.memref_slice %arg6[%gather3A_724, %gather3A_725, %gather3A_726] : memref<8x64x128xf32, #tpu.memory_space<vmem>> -> memref<1x64x128xf32, #tpu.memory_space<vmem>>
      %gather3A_728 = tpu.memref_squeeze %gather3A_727 : memref<1x64x128xf32, #tpu.memory_space<vmem>> -> memref<64x128xf32, #tpu.memory_space<vmem>>
      %gather3A_729 = tpu.vector_load_idx %gather3A_728[%add3A_723, %broadcast_in_dim3A_694] : memref<64x128xf32, #tpu.memory_space<vmem>>[vector<16xi32>, vector<16xi32>], vector<16xf32>,
      %swap3A_730 = arith.constant 0 : i32
      %swap3A_731 = arith.index_cast %swap3A_730 : i32 to index
      %swap3A_732 = arith.constant 288 : index
      %swap3A_733 = tpu.vector_load %arg7[%swap3A_731, %swap3A_732] {strides = array<i32>} : memref<1x512xf32, #tpu.memory_space<vmem>>, vector<16xf32>,
      tpu.vector_store %arg7[%swap3A_731, %swap3A_732], %gather3A_729 {strides = array<i32>} : memref<1x512xf32, #tpu.memory_space<vmem>>, vector<16xf32>,
      %add3A_734 = arith.constant 48 : i32
      %add3A_735 = vector.broadcast %add3A_734 : i32 to vector<16xi32>
      %add3A_736 = arith.addi %iota3A, %add3A_735 : vector<16xi32>
      %gather3A_737 = arith.constant 4 : i32
      %gather3A_738 = arith.constant 0 : i32
      %gather3A_739 = arith.constant 0 : i32
      %gather3A_740 = tpu.memref_slice %arg6[%gather3A_737, %gather3A_738, %gather3A_739] : memref<8x64x128xf32, #tpu.memory_space<vmem>> -> memref<1x64x128xf32, #tpu.memory_space<vmem>>
      %gather3A_741 = tpu.memref_squeeze %gather3A_740 : memref<1x64x128xf32, #tpu.memory_space<vmem>> -> memref<64x128xf32, #tpu.memory_space<vmem>>
      %gather3A_742 = tpu.vector_load_idx %gather3A_741[%add3A_736, %broadcast_in_dim3A_694] : memref<64x128xf32, #tpu.memory_space<vmem>>[vector<16xi32>, vector<16xi32>], vector<16xf32>,
      %swap3A_743 = arith.constant 0 : i32
      %swap3A_744 = arith.index_cast %swap3A_743 : i32 to index
      %swap3A_745 = arith.constant 304 : index
      %swap3A_746 = tpu.vector_load %arg7[%swap3A_744, %swap3A_745] {strides = array<i32>} : memref<1x512xf32, #tpu.memory_space<vmem>>, vector<16xf32>,
      tpu.vector_store %arg7[%swap3A_744, %swap3A_745], %gather3A_742 {strides = array<i32>} : memref<1x512xf32, #tpu.memory_space<vmem>>, vector<16xf32>,
      %dma_wait3A_747 = arith.constant 5 : i32
      %dma_wait3A_748 = arith.constant 0 : i32
      %dma_wait3A_749 = arith.constant 0 : i32
      %dma_wait3A_750 = tpu.memref_slice %arg6[%dma_wait3A_747, %dma_wait3A_748, %dma_wait3A_749] : memref<8x64x128xf32, #tpu.memory_space<vmem>> -> memref<1x64x128xf32, #tpu.memory_space<vmem>>
      %dma_wait3A_751 = tpu.memref_squeeze %dma_wait3A_750 : memref<1x64x128xf32, #tpu.memory_space<vmem>> -> memref<64x128xf32, #tpu.memory_space<vmem>>
      %dma_wait3A_752 = arith.constant 0 : i32
      %dma_wait3A_753 = tpu.memref_slice %arg3[%dma_wait3A_752, %multiple_of3A_234] : memref<64x1000000xf32, #tpu.memory_space<hbm>> -> memref<64x128xf32, #tpu.memory_space<hbm>>
      %dma_wait3A_754 = arith.constant 0 : i32
      %dma_wait3A_755 = arith.constant 0 : i32
      %dma_wait3A_756 = tpu.memref_slice %arg6[%dma_wait3A_747, %dma_wait3A_754, %dma_wait3A_755] : memref<8x64x128xf32, #tpu.memory_space<vmem>> -> memref<1x64x128xf32, #tpu.memory_space<vmem>>
      %dma_wait3A_757 = tpu.memref_squeeze %dma_wait3A_756 : memref<1x64x128xf32, #tpu.memory_space<vmem>> -> memref<64x128xf32, #tpu.memory_space<vmem>>
      %dma_wait3A_758 = arith.constant 0 : i32
      %dma_wait3A_759 = tpu.memref_slice %arg3[%dma_wait3A_758, %multiple_of3A_234] : memref<64x1000000xf32, #tpu.memory_space<hbm>> -> memref<64x128xf32, #tpu.memory_space<hbm>>
      tpu.wait_dma2 semaphore(%arg8 : memref<!tpu.dma_semaphore, #tpu.memory_space<semaphore_mem>>) src(%dma_wait3A_759 : memref<64x128xf32, #tpu.memory_space<hbm>>) dst(%dma_wait3A_757 : memref<64x128xf32, #tpu.memory_space<vmem>>)
      %slice3A_760 = vector.extract_strided_slice %get3A_7 {offsets = [5], sizes = [1], strides = [1]} : vector<16xi32> to vector<1xi32>
      %squeeze3A_761 = vector.extract %slice3A_760[0] : i32 from vector<1xi32>
      %jit3A_762 = arith.constant 128 : i32
      %eq3A_763 = arith.constant 0 : i32
      %eq3A_764 = arith.cmpi eq, %jit3A_762, %eq3A_763 : i32
      %jit3A_765 = arith.constant 1 : i32
      %select_n3A_766 = arith.select %eq3A_764, %jit3A_765, %jit3A_762 : i32
      %rem3A_767 = arith.remsi %squeeze3A_761, %select_n3A_766 : i32
      %ne3A_768 = arith.constant 0 : i32
      %ne3A_769 = arith.cmpi ne, %rem3A_767, %ne3A_768 : i32
      %lt3A_770 = arith.constant 0 : i32
      %lt3A_771 = arith.cmpi slt, %rem3A_767, %lt3A_770 : i32
      %lt3A_772 = arith.constant 0 : i32
      %lt3A_773 = arith.cmpi slt, %select_n3A_766, %lt3A_772 : i32
      %ne3A_774 = arith.xori %lt3A_771, %lt3A_773 : i1
      %and3A_775 = arith.andi %ne3A_774, %ne3A_769 : i1
      %add3A_776 = arith.addi %rem3A_767, %select_n3A_766 : i32
      %select_n3A_777 = arith.select %and3A_775, %add3A_776, %rem3A_767 : i32
      %broadcast_in_dim3A_778 = vector.broadcast %select_n3A_777 : i32 to vector<16xi32>
      %add3A_779 = arith.constant 0 : i32
      %add3A_780 = vector.broadcast %add3A_779 : i32 to vector<16xi32>
      %add3A_781 = arith.addi %iota3A, %add3A_780 : vector<16xi32>
      %gather3A_782 = arith.constant 5 : i32
      %gather3A_783 = arith.constant 0 : i32
      %gather3A_784 = arith.constant 0 : i32
      %gather3A_785 = tpu.memref_slice %arg6[%gather3A_782, %gather3A_783, %gather3A_784] : memref<8x64x128xf32, #tpu.memory_space<vmem>> -> memref<1x64x128xf32, #tpu.memory_space<vmem>>
      %gather3A_786 = tpu.memref_squeeze %gather3A_785 : memref<1x64x128xf32, #tpu.memory_space<vmem>> -> memref<64x128xf32, #tpu.memory_space<vmem>>
      %gather3A_787 = tpu.vector_load_idx %gather3A_786[%add3A_781, %broadcast_in_dim3A_778] : memref<64x128xf32, #tpu.memory_space<vmem>>[vector<16xi32>, vector<16xi32>], vector<16xf32>,
      %swap3A_788 = arith.constant 0 : i32
      %swap3A_789 = arith.index_cast %swap3A_788 : i32 to index
      %swap3A_790 = arith.constant 320 : index
      %swap3A_791 = tpu.vector_load %arg7[%swap3A_789, %swap3A_790] {strides = array<i32>} : memref<1x512xf32, #tpu.memory_space<vmem>>, vector<16xf32>,
      tpu.vector_store %arg7[%swap3A_789, %swap3A_790], %gather3A_787 {strides = array<i32>} : memref<1x512xf32, #tpu.memory_space<vmem>>, vector<16xf32>,
      %add3A_792 = arith.constant 16 : i32
      %add3A_793 = vector.broadcast %add3A_792 : i32 to vector<16xi32>
      %add3A_794 = arith.addi %iota3A, %add3A_793 : vector<16xi32>
      %gather3A_795 = arith.constant 5 : i32
      %gather3A_796 = arith.constant 0 : i32
      %gather3A_797 = arith.constant 0 : i32
      %gather3A_798 = tpu.memref_slice %arg6[%gather3A_795, %gather3A_796, %gather3A_797] : memref<8x64x128xf32, #tpu.memory_space<vmem>> -> memref<1x64x128xf32, #tpu.memory_space<vmem>>
      %gather3A_799 = tpu.memref_squeeze %gather3A_798 : memref<1x64x128xf32, #tpu.memory_space<vmem>> -> memref<64x128xf32, #tpu.memory_space<vmem>>
      %gather3A_800 = tpu.vector_load_idx %gather3A_799[%add3A_794, %broadcast_in_dim3A_778] : memref<64x128xf32, #tpu.memory_space<vmem>>[vector<16xi32>, vector<16xi32>], vector<16xf32>,
      %swap3A_801 = arith.constant 0 : i32
      %swap3A_802 = arith.index_cast %swap3A_801 : i32 to index
      %swap3A_803 = arith.constant 336 : index
      %swap3A_804 = tpu.vector_load %arg7[%swap3A_802, %swap3A_803] {strides = array<i32>} : memref<1x512xf32, #tpu.memory_space<vmem>>, vector<16xf32>,
      tpu.vector_store %arg7[%swap3A_802, %swap3A_803], %gather3A_800 {strides = array<i32>} : memref<1x512xf32, #tpu.memory_space<vmem>>, vector<16xf32>,
      %add3A_805 = arith.constant 32 : i32
      %add3A_806 = vector.broadcast %add3A_805 : i32 to vector<16xi32>
      %add3A_807 = arith.addi %iota3A, %add3A_806 : vector<16xi32>
      %gather3A_808 = arith.constant 5 : i32
      %gather3A_809 = arith.constant 0 : i32
      %gather3A_810 = arith.constant 0 : i32
      %gather3A_811 = tpu.memref_slice %arg6[%gather3A_808, %gather3A_809, %gather3A_810] : memref<8x64x128xf32, #tpu.memory_space<vmem>> -> memref<1x64x128xf32, #tpu.memory_space<vmem>>
      %gather3A_812 = tpu.memref_squeeze %gather3A_811 : memref<1x64x128xf32, #tpu.memory_space<vmem>> -> memref<64x128xf32, #tpu.memory_space<vmem>>
      %gather3A_813 = tpu.vector_load_idx %gather3A_812[%add3A_807, %broadcast_in_dim3A_778] : memref<64x128xf32, #tpu.memory_space<vmem>>[vector<16xi32>, vector<16xi32>], vector<16xf32>,
      %swap3A_814 = arith.constant 0 : i32
      %swap3A_815 = arith.index_cast %swap3A_814 : i32 to index
      %swap3A_816 = arith.constant 352 : index
      %swap3A_817 = tpu.vector_load %arg7[%swap3A_815, %swap3A_816] {strides = array<i32>} : memref<1x512xf32, #tpu.memory_space<vmem>>, vector<16xf32>,
      tpu.vector_store %arg7[%swap3A_815, %swap3A_816], %gather3A_813 {strides = array<i32>} : memref<1x512xf32, #tpu.memory_space<vmem>>, vector<16xf32>,
      %add3A_818 = arith.constant 48 : i32
      %add3A_819 = vector.broadcast %add3A_818 : i32 to vector<16xi32>
      %add3A_820 = arith.addi %iota3A, %add3A_819 : vector<16xi32>
      %gather3A_821 = arith.constant 5 : i32
      %gather3A_822 = arith.constant 0 : i32
      %gather3A_823 = arith.constant 0 : i32
      %gather3A_824 = tpu.memref_slice %arg6[%gather3A_821, %gather3A_822, %gather3A_823] : memref<8x64x128xf32, #tpu.memory_space<vmem>> -> memref<1x64x128xf32, #tpu.memory_space<vmem>>
      %gather3A_825 = tpu.memref_squeeze %gather3A_824 : memref<1x64x128xf32, #tpu.memory_space<vmem>> -> memref<64x128xf32, #tpu.memory_space<vmem>>
      %gather3A_826 = tpu.vector_load_idx %gather3A_825[%add3A_820, %broadcast_in_dim3A_778] : memref<64x128xf32, #tpu.memory_space<vmem>>[vector<16xi32>, vector<16xi32>], vector<16xf32>,
      %swap3A_827 = arith.constant 0 : i32
      %swap3A_828 = arith.index_cast %swap3A_827 : i32 to index
      %swap3A_829 = arith.constant 368 : index
      %swap3A_830 = tpu.vector_load %arg7[%swap3A_828, %swap3A_829] {strides = array<i32>} : memref<1x512xf32, #tpu.memory_space<vmem>>, vector<16xf32>,
      tpu.vector_store %arg7[%swap3A_828, %swap3A_829], %gather3A_826 {strides = array<i32>} : memref<1x512xf32, #tpu.memory_space<vmem>>, vector<16xf32>,
      %dma_wait3A_831 = arith.constant 6 : i32
      %dma_wait3A_832 = arith.constant 0 : i32
      %dma_wait3A_833 = arith.constant 0 : i32
      %dma_wait3A_834 = tpu.memref_slice %arg6[%dma_wait3A_831, %dma_wait3A_832, %dma_wait3A_833] : memref<8x64x128xf32, #tpu.memory_space<vmem>> -> memref<1x64x128xf32, #tpu.memory_space<vmem>>
      %dma_wait3A_835 = tpu.memref_squeeze %dma_wait3A_834 : memref<1x64x128xf32, #tpu.memory_space<vmem>> -> memref<64x128xf32, #tpu.memory_space<vmem>>
      %dma_wait3A_836 = arith.constant 0 : i32
      %dma_wait3A_837 = tpu.memref_slice %arg3[%dma_wait3A_836, %multiple_of3A_276] : memref<64x1000000xf32, #tpu.memory_space<hbm>> -> memref<64x128xf32, #tpu.memory_space<hbm>>
      %dma_wait3A_838 = arith.constant 0 : i32
      %dma_wait3A_839 = arith.constant 0 : i32
      %dma_wait3A_840 = tpu.memref_slice %arg6[%dma_wait3A_831, %dma_wait3A_838, %dma_wait3A_839] : memref<8x64x128xf32, #tpu.memory_space<vmem>> -> memref<1x64x128xf32, #tpu.memory_space<vmem>>
      %dma_wait3A_841 = tpu.memref_squeeze %dma_wait3A_840 : memref<1x64x128xf32, #tpu.memory_space<vmem>> -> memref<64x128xf32, #tpu.memory_space<vmem>>
      %dma_wait3A_842 = arith.constant 0 : i32
      %dma_wait3A_843 = tpu.memref_slice %arg3[%dma_wait3A_842, %multiple_of3A_276] : memref<64x1000000xf32, #tpu.memory_space<hbm>> -> memref<64x128xf32, #tpu.memory_space<hbm>>
      tpu.wait_dma2 semaphore(%arg8 : memref<!tpu.dma_semaphore, #tpu.memory_space<semaphore_mem>>) src(%dma_wait3A_843 : memref<64x128xf32, #tpu.memory_space<hbm>>) dst(%dma_wait3A_841 : memref<64x128xf32, #tpu.memory_space<vmem>>)
      %slice3A_844 = vector.extract_strided_slice %get3A_7 {offsets = [6], sizes = [1], strides = [1]} : vector<16xi32> to vector<1xi32>
      %squeeze3A_845 = vector.extract %slice3A_844[0] : i32 from vector<1xi32>
      %jit3A_846 = arith.constant 128 : i32
      %eq3A_847 = arith.constant 0 : i32
      %eq3A_848 = arith.cmpi eq, %jit3A_846, %eq3A_847 : i32
      %jit3A_849 = arith.constant 1 : i32
      %select_n3A_850 = arith.select %eq3A_848, %jit3A_849, %jit3A_846 : i32
      %rem3A_851 = arith.remsi %squeeze3A_845, %select_n3A_850 : i32
      %ne3A_852 = arith.constant 0 : i32
      %ne3A_853 = arith.cmpi ne, %rem3A_851, %ne3A_852 : i32
      %lt3A_854 = arith.constant 0 : i32
      %lt3A_855 = arith.cmpi slt, %rem3A_851, %lt3A_854 : i32
      %lt3A_856 = arith.constant 0 : i32
      %lt3A_857 = arith.cmpi slt, %select_n3A_850, %lt3A_856 : i32
      %ne3A_858 = arith.xori %lt3A_855, %lt3A_857 : i1
      %and3A_859 = arith.andi %ne3A_858, %ne3A_853 : i1
      %add3A_860 = arith.addi %rem3A_851, %select_n3A_850 : i32
      %select_n3A_861 = arith.select %and3A_859, %add3A_860, %rem3A_851 : i32
      %broadcast_in_dim3A_862 = vector.broadcast %select_n3A_861 : i32 to vector<16xi32>
      %add3A_863 = arith.constant 0 : i32
      %add3A_864 = vector.broadcast %add3A_863 : i32 to vector<16xi32>
      %add3A_865 = arith.addi %iota3A, %add3A_864 : vector<16xi32>
      %gather3A_866 = arith.constant 6 : i32
      %gather3A_867 = arith.constant 0 : i32
      %gather3A_868 = arith.constant 0 : i32
      %gather3A_869 = tpu.memref_slice %arg6[%gather3A_866, %gather3A_867, %gather3A_868] : memref<8x64x128xf32, #tpu.memory_space<vmem>> -> memref<1x64x128xf32, #tpu.memory_space<vmem>>
      %gather3A_870 = tpu.memref_squeeze %gather3A_869 : memref<1x64x128xf32, #tpu.memory_space<vmem>> -> memref<64x128xf32, #tpu.memory_space<vmem>>
      %gather3A_871 = tpu.vector_load_idx %gather3A_870[%add3A_865, %broadcast_in_dim3A_862] : memref<64x128xf32, #tpu.memory_space<vmem>>[vector<16xi32>, vector<16xi32>], vector<16xf32>,
      %swap3A_872 = arith.constant 0 : i32
      %swap3A_873 = arith.index_cast %swap3A_872 : i32 to index
      %swap3A_874 = arith.constant 384 : index
      %swap3A_875 = tpu.vector_load %arg7[%swap3A_873, %swap3A_874] {strides = array<i32>} : memref<1x512xf32, #tpu.memory_space<vmem>>, vector<16xf32>,
      tpu.vector_store %arg7[%swap3A_873, %swap3A_874], %gather3A_871 {strides = array<i32>} : memref<1x512xf32, #tpu.memory_space<vmem>>, vector<16xf32>,
      %add3A_876 = arith.constant 16 : i32
      %add3A_877 = vector.broadcast %add3A_876 : i32 to vector<16xi32>
      %add3A_878 = arith.addi %iota3A, %add3A_877 : vector<16xi32>
      %gather3A_879 = arith.constant 6 : i32
      %gather3A_880 = arith.constant 0 : i32
      %gather3A_881 = arith.constant 0 : i32
      %gather3A_882 = tpu.memref_slice %arg6[%gather3A_879, %gather3A_880, %gather3A_881] : memref<8x64x128xf32, #tpu.memory_space<vmem>> -> memref<1x64x128xf32, #tpu.memory_space<vmem>>
      %gather3A_883 = tpu.memref_squeeze %gather3A_882 : memref<1x64x128xf32, #tpu.memory_space<vmem>> -> memref<64x128xf32, #tpu.memory_space<vmem>>
      %gather3A_884 = tpu.vector_load_idx %gather3A_883[%add3A_878, %broadcast_in_dim3A_862] : memref<64x128xf32, #tpu.memory_space<vmem>>[vector<16xi32>, vector<16xi32>], vector<16xf32>,
      %swap3A_885 = arith.constant 0 : i32
      %swap3A_886 = arith.index_cast %swap3A_885 : i32 to index
      %swap3A_887 = arith.constant 400 : index
      %swap3A_888 = tpu.vector_load %arg7[%swap3A_886, %swap3A_887] {strides = array<i32>} : memref<1x512xf32, #tpu.memory_space<vmem>>, vector<16xf32>,
      tpu.vector_store %arg7[%swap3A_886, %swap3A_887], %gather3A_884 {strides = array<i32>} : memref<1x512xf32, #tpu.memory_space<vmem>>, vector<16xf32>,
      %add3A_889 = arith.constant 32 : i32
      %add3A_890 = vector.broadcast %add3A_889 : i32 to vector<16xi32>
      %add3A_891 = arith.addi %iota3A, %add3A_890 : vector<16xi32>
      %gather3A_892 = arith.constant 6 : i32
      %gather3A_893 = arith.constant 0 : i32
      %gather3A_894 = arith.constant 0 : i32
      %gather3A_895 = tpu.memref_slice %arg6[%gather3A_892, %gather3A_893, %gather3A_894] : memref<8x64x128xf32, #tpu.memory_space<vmem>> -> memref<1x64x128xf32, #tpu.memory_space<vmem>>
      %gather3A_896 = tpu.memref_squeeze %gather3A_895 : memref<1x64x128xf32, #tpu.memory_space<vmem>> -> memref<64x128xf32, #tpu.memory_space<vmem>>
      %gather3A_897 = tpu.vector_load_idx %gather3A_896[%add3A_891, %broadcast_in_dim3A_862] : memref<64x128xf32, #tpu.memory_space<vmem>>[vector<16xi32>, vector<16xi32>], vector<16xf32>,
      %swap3A_898 = arith.constant 0 : i32
      %swap3A_899 = arith.index_cast %swap3A_898 : i32 to index
      %swap3A_900 = arith.constant 416 : index
      %swap3A_901 = tpu.vector_load %arg7[%swap3A_899, %swap3A_900] {strides = array<i32>} : memref<1x512xf32, #tpu.memory_space<vmem>>, vector<16xf32>,
      tpu.vector_store %arg7[%swap3A_899, %swap3A_900], %gather3A_897 {strides = array<i32>} : memref<1x512xf32, #tpu.memory_space<vmem>>, vector<16xf32>,
      %add3A_902 = arith.constant 48 : i32
      %add3A_903 = vector.broadcast %add3A_902 : i32 to vector<16xi32>
      %add3A_904 = arith.addi %iota3A, %add3A_903 : vector<16xi32>
      %gather3A_905 = arith.constant 6 : i32
      %gather3A_906 = arith.constant 0 : i32
      %gather3A_907 = arith.constant 0 : i32
      %gather3A_908 = tpu.memref_slice %arg6[%gather3A_905, %gather3A_906, %gather3A_907] : memref<8x64x128xf32, #tpu.memory_space<vmem>> -> memref<1x64x128xf32, #tpu.memory_space<vmem>>
      %gather3A_909 = tpu.memref_squeeze %gather3A_908 : memref<1x64x128xf32, #tpu.memory_space<vmem>> -> memref<64x128xf32, #tpu.memory_space<vmem>>
      %gather3A_910 = tpu.vector_load_idx %gather3A_909[%add3A_904, %broadcast_in_dim3A_862] : memref<64x128xf32, #tpu.memory_space<vmem>>[vector<16xi32>, vector<16xi32>], vector<16xf32>,
      %swap3A_911 = arith.constant 0 : i32
      %swap3A_912 = arith.index_cast %swap3A_911 : i32 to index
      %swap3A_913 = arith.constant 432 : index
      %swap3A_914 = tpu.vector_load %arg7[%swap3A_912, %swap3A_913] {strides = array<i32>} : memref<1x512xf32, #tpu.memory_space<vmem>>, vector<16xf32>,
      tpu.vector_store %arg7[%swap3A_912, %swap3A_913], %gather3A_910 {strides = array<i32>} : memref<1x512xf32, #tpu.memory_space<vmem>>, vector<16xf32>,
      %dma_wait3A_915 = arith.constant 7 : i32
      %dma_wait3A_916 = arith.constant 0 : i32
      %dma_wait3A_917 = arith.constant 0 : i32
      %dma_wait3A_918 = tpu.memref_slice %arg6[%dma_wait3A_915, %dma_wait3A_916, %dma_wait3A_917] : memref<8x64x128xf32, #tpu.memory_space<vmem>> -> memref<1x64x128xf32, #tpu.memory_space<vmem>>
      %dma_wait3A_919 = tpu.memref_squeeze %dma_wait3A_918 : memref<1x64x128xf32, #tpu.memory_space<vmem>> -> memref<64x128xf32, #tpu.memory_space<vmem>>
      %dma_wait3A_920 = arith.constant 0 : i32
      %dma_wait3A_921 = tpu.memref_slice %arg3[%dma_wait3A_920, %multiple_of3A_318] : memref<64x1000000xf32, #tpu.memory_space<hbm>> -> memref<64x128xf32, #tpu.memory_space<hbm>>
      %dma_wait3A_922 = arith.constant 0 : i32
      %dma_wait3A_923 = arith.constant 0 : i32
      %dma_wait3A_924 = tpu.memref_slice %arg6[%dma_wait3A_915, %dma_wait3A_922, %dma_wait3A_923] : memref<8x64x128xf32, #tpu.memory_space<vmem>> -> memref<1x64x128xf32, #tpu.memory_space<vmem>>
      %dma_wait3A_925 = tpu.memref_squeeze %dma_wait3A_924 : memref<1x64x128xf32, #tpu.memory_space<vmem>> -> memref<64x128xf32, #tpu.memory_space<vmem>>
      %dma_wait3A_926 = arith.constant 0 : i32
      %dma_wait3A_927 = tpu.memref_slice %arg3[%dma_wait3A_926, %multiple_of3A_318] : memref<64x1000000xf32, #tpu.memory_space<hbm>> -> memref<64x128xf32, #tpu.memory_space<hbm>>
      tpu.wait_dma2 semaphore(%arg8 : memref<!tpu.dma_semaphore, #tpu.memory_space<semaphore_mem>>) src(%dma_wait3A_927 : memref<64x128xf32, #tpu.memory_space<hbm>>) dst(%dma_wait3A_925 : memref<64x128xf32, #tpu.memory_space<vmem>>)
      %slice3A_928 = vector.extract_strided_slice %get3A_7 {offsets = [7], sizes = [1], strides = [1]} : vector<16xi32> to vector<1xi32>
      %squeeze3A_929 = vector.extract %slice3A_928[0] : i32 from vector<1xi32>
      %jit3A_930 = arith.constant 128 : i32
      %eq3A_931 = arith.constant 0 : i32
      %eq3A_932 = arith.cmpi eq, %jit3A_930, %eq3A_931 : i32
      %jit3A_933 = arith.constant 1 : i32
      %select_n3A_934 = arith.select %eq3A_932, %jit3A_933, %jit3A_930 : i32
      %rem3A_935 = arith.remsi %squeeze3A_929, %select_n3A_934 : i32
      %ne3A_936 = arith.constant 0 : i32
      %ne3A_937 = arith.cmpi ne, %rem3A_935, %ne3A_936 : i32
      %lt3A_938 = arith.constant 0 : i32
      %lt3A_939 = arith.cmpi slt, %rem3A_935, %lt3A_938 : i32
      %lt3A_940 = arith.constant 0 : i32
      %lt3A_941 = arith.cmpi slt, %select_n3A_934, %lt3A_940 : i32
      %ne3A_942 = arith.xori %lt3A_939, %lt3A_941 : i1
      %and3A_943 = arith.andi %ne3A_942, %ne3A_937 : i1
      %add3A_944 = arith.addi %rem3A_935, %select_n3A_934 : i32
      %select_n3A_945 = arith.select %and3A_943, %add3A_944, %rem3A_935 : i32
      %broadcast_in_dim3A_946 = vector.broadcast %select_n3A_945 : i32 to vector<16xi32>
      %add3A_947 = arith.constant 0 : i32
      %add3A_948 = vector.broadcast %add3A_947 : i32 to vector<16xi32>
      %add3A_949 = arith.addi %iota3A, %add3A_948 : vector<16xi32>
      %gather3A_950 = arith.constant 7 : i32
      %gather3A_951 = arith.constant 0 : i32
      %gather3A_952 = arith.constant 0 : i32
      %gather3A_953 = tpu.memref_slice %arg6[%gather3A_950, %gather3A_951, %gather3A_952] : memref<8x64x128xf32, #tpu.memory_space<vmem>> -> memref<1x64x128xf32, #tpu.memory_space<vmem>>
      %gather3A_954 = tpu.memref_squeeze %gather3A_953 : memref<1x64x128xf32, #tpu.memory_space<vmem>> -> memref<64x128xf32, #tpu.memory_space<vmem>>
      %gather3A_955 = tpu.vector_load_idx %gather3A_954[%add3A_949, %broadcast_in_dim3A_946] : memref<64x128xf32, #tpu.memory_space<vmem>>[vector<16xi32>, vector<16xi32>], vector<16xf32>,
      %swap3A_956 = arith.constant 0 : i32
      %swap3A_957 = arith.index_cast %swap3A_956 : i32 to index
      %swap3A_958 = arith.constant 448 : index
      %swap3A_959 = tpu.vector_load %arg7[%swap3A_957, %swap3A_958] {strides = array<i32>} : memref<1x512xf32, #tpu.memory_space<vmem>>, vector<16xf32>,
      tpu.vector_store %arg7[%swap3A_957, %swap3A_958], %gather3A_955 {strides = array<i32>} : memref<1x512xf32, #tpu.memory_space<vmem>>, vector<16xf32>,
      %add3A_960 = arith.constant 16 : i32
      %add3A_961 = vector.broadcast %add3A_960 : i32 to vector<16xi32>
      %add3A_962 = arith.addi %iota3A, %add3A_961 : vector<16xi32>
      %gather3A_963 = arith.constant 7 : i32
      %gather3A_964 = arith.constant 0 : i32
      %gather3A_965 = arith.constant 0 : i32
      %gather3A_966 = tpu.memref_slice %arg6[%gather3A_963, %gather3A_964, %gather3A_965] : memref<8x64x128xf32, #tpu.memory_space<vmem>> -> memref<1x64x128xf32, #tpu.memory_space<vmem>>
      %gather3A_967 = tpu.memref_squeeze %gather3A_966 : memref<1x64x128xf32, #tpu.memory_space<vmem>> -> memref<64x128xf32, #tpu.memory_space<vmem>>
      %gather3A_968 = tpu.vector_load_idx %gather3A_967[%add3A_962, %broadcast_in_dim3A_946] : memref<64x128xf32, #tpu.memory_space<vmem>>[vector<16xi32>, vector<16xi32>], vector<16xf32>,
      %swap3A_969 = arith.constant 0 : i32
      %swap3A_970 = arith.index_cast %swap3A_969 : i32 to index
      %swap3A_971 = arith.constant 464 : index
      %swap3A_972 = tpu.vector_load %arg7[%swap3A_970, %swap3A_971] {strides = array<i32>} : memref<1x512xf32, #tpu.memory_space<vmem>>, vector<16xf32>,
      tpu.vector_store %arg7[%swap3A_970, %swap3A_971], %gather3A_968 {strides = array<i32>} : memref<1x512xf32, #tpu.memory_space<vmem>>, vector<16xf32>,
      %add3A_973 = arith.constant 32 : i32
      %add3A_974 = vector.broadcast %add3A_973 : i32 to vector<16xi32>
      %add3A_975 = arith.addi %iota3A, %add3A_974 : vector<16xi32>
      %gather3A_976 = arith.constant 7 : i32
      %gather3A_977 = arith.constant 0 : i32
      %gather3A_978 = arith.constant 0 : i32
      %gather3A_979 = tpu.memref_slice %arg6[%gather3A_976, %gather3A_977, %gather3A_978] : memref<8x64x128xf32, #tpu.memory_space<vmem>> -> memref<1x64x128xf32, #tpu.memory_space<vmem>>
      %gather3A_980 = tpu.memref_squeeze %gather3A_979 : memref<1x64x128xf32, #tpu.memory_space<vmem>> -> memref<64x128xf32, #tpu.memory_space<vmem>>
      %gather3A_981 = tpu.vector_load_idx %gather3A_980[%add3A_975, %broadcast_in_dim3A_946] : memref<64x128xf32, #tpu.memory_space<vmem>>[vector<16xi32>, vector<16xi32>], vector<16xf32>,
      %swap3A_982 = arith.constant 0 : i32
      %swap3A_983 = arith.index_cast %swap3A_982 : i32 to index
      %swap3A_984 = arith.constant 480 : index
      %swap3A_985 = tpu.vector_load %arg7[%swap3A_983, %swap3A_984] {strides = array<i32>} : memref<1x512xf32, #tpu.memory_space<vmem>>, vector<16xf32>,
      tpu.vector_store %arg7[%swap3A_983, %swap3A_984], %gather3A_981 {strides = array<i32>} : memref<1x512xf32, #tpu.memory_space<vmem>>, vector<16xf32>,
      %add3A_986 = arith.constant 48 : i32
      %add3A_987 = vector.broadcast %add3A_986 : i32 to vector<16xi32>
      %add3A_988 = arith.addi %iota3A, %add3A_987 : vector<16xi32>
      %gather3A_989 = arith.constant 7 : i32
      %gather3A_990 = arith.constant 0 : i32
      %gather3A_991 = arith.constant 0 : i32
      %gather3A_992 = tpu.memref_slice %arg6[%gather3A_989, %gather3A_990, %gather3A_991] : memref<8x64x128xf32, #tpu.memory_space<vmem>> -> memref<1x64x128xf32, #tpu.memory_space<vmem>>
      %gather3A_993 = tpu.memref_squeeze %gather3A_992 : memref<1x64x128xf32, #tpu.memory_space<vmem>> -> memref<64x128xf32, #tpu.memory_space<vmem>>
      %gather3A_994 = tpu.vector_load_idx %gather3A_993[%add3A_988, %broadcast_in_dim3A_946] : memref<64x128xf32, #tpu.memory_space<vmem>>[vector<16xi32>, vector<16xi32>], vector<16xf32>,
      %swap3A_995 = arith.constant 0 : i32
      %swap3A_996 = arith.index_cast %swap3A_995 : i32 to index
      %swap3A_997 = arith.constant 496 : index
      %swap3A_998 = tpu.vector_load %arg7[%swap3A_996, %swap3A_997] {strides = array<i32>} : memref<1x512xf32, #tpu.memory_space<vmem>>, vector<16xf32>,
      tpu.vector_store %arg7[%swap3A_996, %swap3A_997], %gather3A_994 {strides = array<i32>} : memref<1x512xf32, #tpu.memory_space<vmem>>, vector<16xf32>,
      %multiple_of3A_999 = tpu.assume_multiple %mul3A_4, 128 : i32
      "tpu.region"() ({
        %run_scoped3A = tpu.sem_alloc : memref<!tpu.dma_semaphore, #tpu.memory_space<semaphore_mem>>
        %dma_start3A_1000 = arith.constant 0 : i32
        %dma_start3A_1001 = tpu.memref_slice %arg4[%dma_start3A_1000, %multiple_of3A_999] : memref<1x12800xf32, #tpu.memory_space<hbm>> -> memref<1x512xf32, #tpu.memory_space<hbm>>
        %dma_start3A_1002 = arith.constant 0 : i32
        %dma_start3A_1003 = tpu.memref_slice %arg4[%dma_start3A_1002, %multiple_of3A_999] : memref<1x12800xf32, #tpu.memory_space<hbm>> -> memref<1x512xf32, #tpu.memory_space<hbm>>
        tpu.enqueue_dma source(%arg7 : memref<1x512xf32, #tpu.memory_space<vmem>>) target(%dma_start3A_1003 : memref<1x512xf32, #tpu.memory_space<hbm>>) target_semaphore(%run_scoped3A : memref<!tpu.dma_semaphore, #tpu.memory_space<semaphore_mem>>)
        %dma_wait3A_1004 = arith.constant 0 : i32
        %dma_wait3A_1005 = tpu.memref_slice %arg4[%dma_wait3A_1004, %multiple_of3A_999] : memref<1x12800xf32, #tpu.memory_space<hbm>> -> memref<1x512xf32, #tpu.memory_space<hbm>>
        %dma_wait3A_1006 = arith.constant 0 : i32
        %dma_wait3A_1007 = tpu.memref_slice %arg4[%dma_wait3A_1006, %multiple_of3A_999] : memref<1x12800xf32, #tpu.memory_space<hbm>> -> memref<1x512xf32, #tpu.memory_space<hbm>>
        tpu.wait_dma2 semaphore(%run_scoped3A : memref<!tpu.dma_semaphore, #tpu.memory_space<semaphore_mem>>) src(%arg7 : memref<1x512xf32, #tpu.memory_space<vmem>>) dst(%dma_wait3A_1007 : memref<1x512xf32, #tpu.memory_space<hbm>>)
        tpu.yield
      }) : () -> ()
    } else {
    }
    return
  }
}

module attributes {stable_mosaic.version = 14 : i64} {
  func.func @_mlp_body(%arg0: memref<1x12800xf32, #tpu.memory_space<vmem>>, %arg1: memref<64x1000xf32, #tpu.memory_space<vmem>>, %arg2: memref<1xi32, #tpu.memory_space<smem>>, %arg3: memref<1x1xf32, #tpu.memory_space<vmem>>, %arg4: memref<12865x128xf32, #tpu.memory_space<vmem>>, %arg5: memref<1x128xf32, #tpu.memory_space<vmem>>, %arg6: memref<128x1xf32, #tpu.memory_space<vmem>>, %arg7: memref<1x1xf32, #tpu.memory_space<vmem>>, %arg8: memref<1x1xf32, #tpu.memory_space<vmem>>) attributes {dimension_semantics = [], scalar_prefetch = 0 : i64, scratch_operands = 0 : i64, tpu.core_type = #tpu.core_type<tc>} {
    %iota3A = tpu.iota {dimensions = array<i32: 1>} : vector<64x1000xi32>
    %get3A = arith.constant 0 : index
    %get3A_0 = memref.load %arg2[%get3A] : memref<1xi32, #tpu.memory_space<smem>>
    %eq3A = vector.broadcast %get3A_0 : i32 to vector<64x1000xi32>
    %eq3A_1 = arith.cmpi eq, %iota3A, %eq3A : vector<64x1000xi32>
    %get3A_2 = arith.constant 0 : index
    %get3A_3 = arith.constant 0 : index
    %get3A_4 = vector.load %arg1[%get3A_2, %get3A_3] : memref<64x1000xf32, #tpu.memory_space<vmem>>, vector<64x1000xf32>
    %jit3A = arith.constant 0.000000e+00 : f32
    %broadcast_in_dim3A = vector.broadcast %jit3A : f32 to vector<64x1000xf32>
    %select_n3A = arith.select %eq3A_1, %get3A_4, %broadcast_in_dim3A : vector<64x1000xi1>, vector<64x1000xf32>
    %reduce_sum3A = arith.constant dense<0.000000e+00> : vector<64xf32>
    %reduce_sum3A_5 = vector.multi_reduction <add>, %select_n3A, %reduce_sum3A [1] : vector<64x1000xf32> to vector<64xf32>
    %broadcast_in_dim3A_6 = vector.shape_cast %reduce_sum3A_5 : vector<64xf32> to vector<64x1xf32>
    %get3A_7 = arith.constant 0 : index
    %get3A_8 = arith.constant 0 : index
    %get3A_9 = vector.load %arg4[%get3A_7, %get3A_8] : memref<12865x128xf32, #tpu.memory_space<vmem>>, vector<64x128xf32>
    %mul3A = vector.broadcast %broadcast_in_dim3A_6 : vector<64x1xf32> to vector<64x128xf32>
    %mul3A_10 = arith.mulf %mul3A, %get3A_9 : vector<64x128xf32>
    %reduce_sum3A_11 = arith.constant dense<0.000000e+00> : vector<128xf32>
    %reduce_sum3A_12 = vector.multi_reduction <add>, %mul3A_10, %reduce_sum3A_11 [0] : vector<64x128xf32> to vector<128xf32>
    %broadcast_in_dim3A_13 = vector.shape_cast %reduce_sum3A_12 : vector<128xf32> to vector<1x128xf32>
    %get3A_14 = arith.constant 0 : index
    %get3A_15 = arith.constant 0 : index
    %get3A_16 = vector.load %arg0[%get3A_14, %get3A_15] : memref<1x12800xf32, #tpu.memory_space<vmem>>, vector<1x12800xf32>
    %get3A_17 = arith.constant 64 : index
    %get3A_18 = arith.constant 0 : index
    %get3A_19 = vector.load %arg4[%get3A_17, %get3A_18] : memref<12865x128xf32, #tpu.memory_space<vmem>>, vector<12800x128xf32>
    %dot_general3A = arith.constant dense<0.000000e+00> : vector<1x128xf32>
    %dot_general3A_20 = tpu.matmul %get3A_16, %get3A_19, %dot_general3A {dimension_numbers = #tpu.dot_dimension_numbers<[1], [0], [0], [1], [0, 0, 1, 1], [], []>, transpose_lhs_hint = false} : vector<1x12800xf32>, vector<12800x128xf32>, vector<1x128xf32> -> vector<1x128xf32>
    %add3A = arith.addf %broadcast_in_dim3A_13, %dot_general3A_20 : vector<1x128xf32>
    %get3A_21 = arith.constant 0 : index
    %get3A_22 = arith.constant 0 : index
    %get3A_23 = vector.load %arg3[%get3A_21, %get3A_22] : memref<1x1xf32, #tpu.memory_space<vmem>>, vector<1x1xf32>
    %get3A_24 = arith.constant 12864 : index
    %get3A_25 = arith.constant 0 : index
    %get3A_26 = vector.load %arg4[%get3A_24, %get3A_25] : memref<12865x128xf32, #tpu.memory_space<vmem>>, vector<1x128xf32>
    %mul3A_27 = vector.broadcast %get3A_23 : vector<1x1xf32> to vector<1x128xf32>
    %mul3A_28 = arith.mulf %mul3A_27, %get3A_26 : vector<1x128xf32>
    %add3A_29 = arith.addf %add3A, %mul3A_28 : vector<1x128xf32>
    %get3A_30 = arith.constant 0 : index
    %get3A_31 = arith.constant 0 : index
    %get3A_32 = vector.load %arg5[%get3A_30, %get3A_31] : memref<1x128xf32, #tpu.memory_space<vmem>>, vector<1x128xf32>
    %add3A_33 = arith.addf %add3A_29, %get3A_32 : vector<1x128xf32>
    %max3A = arith.constant 0.000000e+00 : f32
    %max3A_34 = vector.broadcast %max3A : f32 to vector<1x128xf32>
    %max3A_35 = arith.maximumf %add3A_33, %max3A_34 : vector<1x128xf32>
    %get3A_36 = arith.constant 0 : index
    %get3A_37 = arith.constant 0 : index
    %get3A_38 = vector.load %arg6[%get3A_36, %get3A_37] : memref<128x1xf32, #tpu.memory_space<vmem>>, vector<128x1xf32>
    %dot_general3A_39 = arith.constant dense<0.000000e+00> : vector<1x1xf32>
    %dot_general3A_40 = tpu.matmul %max3A_35, %get3A_38, %dot_general3A_39 {dimension_numbers = #tpu.dot_dimension_numbers<[1], [0], [0], [1], [0, 0, 1, 1], [], []>, transpose_lhs_hint = false} : vector<1x128xf32>, vector<128x1xf32>, vector<1x1xf32> -> vector<1x1xf32>
    %get3A_41 = arith.constant 0 : index
    %get3A_42 = arith.constant 0 : index
    %get3A_43 = vector.load %arg7[%get3A_41, %get3A_42] : memref<1x1xf32, #tpu.memory_space<vmem>>, vector<1x1xf32>
    %add3A_44 = arith.addf %dot_general3A_40, %get3A_43 : vector<1x1xf32>
    %logistic3A = arith.negf %add3A_44 : vector<1x1xf32>
    %logistic3A_45 = math.exp %logistic3A : vector<1x1xf32>
    %logistic3A_46 = arith.constant 1.000000e+00 : f32
    %logistic3A_47 = vector.broadcast %logistic3A_46 : f32 to vector<1x1xf32>
    %logistic3A_48 = arith.addf %logistic3A_47, %logistic3A_45 : vector<1x1xf32>
    %logistic3A_49 = arith.divf %logistic3A_47, %logistic3A_48 : vector<1x1xf32>
    %swap3A = arith.constant 0 : index
    %swap3A_50 = arith.constant 0 : index
    %swap3A_51 = vector.load %arg8[%swap3A, %swap3A_50] : memref<1x1xf32, #tpu.memory_space<vmem>>, vector<1x1xf32>
    tpu.vector_store %arg8[%swap3A, %swap3A_50], %logistic3A_49 {strides = array<i32>} : memref<1x1xf32, #tpu.memory_space<vmem>>, vector<1x1xf32>,
    return
  }
}

</mosaic_0001>

<sc_bundles>
// kernel: kernel.4.cloned.1.call-start
scs
__scs_entry_jumppad:
0x0: {  	(pc) =	sbr.rel $0x88, $3  }
0x1: {  	(tag) =	ssettag $0x0;
	lr =	simm.s32 $0x1  }
0x2: {  	[smem:$0x3F98] =	sst lr;
	_ =	strace $0xD0000000  }
0x3: {  	_ = 	snop  }
0x4: {  	_ = 	snop  }
0x5: {  	_ = 	snop  }
0x6: {  	_ = 	snop  }
0x7: {  	_ = 	snop  }
__scs_overlays_trampoline_lowered:
0x8: {  	[smem:$0x3FA7] =	sst s0  }
0x9: {  	[smem:$0x3FA8] =	sst s1  }
0xa: {  	[smem:$0x3FA9] =	sst s2  }
0xb: {  	[smem:$0x3FAA] =	sst s3  }
0xc: {  	[smem:$0x3FAB] =	sst s4  }
0xd: {  	[smem:$0x3FAC] =	sst s5  }
0xe: {  	[smem:$0x3FAD] =	sst s6  }
0xf: {  	[smem:$0x3FAE] =	sst s7  }
0x10: {  	[smem:$0x3FAF] =	sst s8  }
0x11: {  	[smem:$0x3FB0] =	sst s9;
	s0 =	simm.s32 @!p0 $0x0  }
0x12: {  	s1 =	sld [smem:$0x3F96];
	s0 =	simm.s32 @p0 $0x1  }
0x13: {  	[smem:$0x3FB1] =	sst s0;
	s0 =	simm.s32 @!p1 $0x0  }
0x14: {  	s2 =	sld [smem:$0x3F95];
	s0 =	simm.s32 @p1 $0x1  }
0x15: {  	[smem:$0x3FB2] =	sst s0;
	s0 =	simm.s32 @!p2 $0x0  }
0x16: {  	s3 =	sld [smem:$0x3FDB];
	s0 =	simm.s32 @p2 $0x1  }
0x17: {  	s4 =	simm.s32 $0x1BF5;
	[smem:$0x3FB4] =	sst s0  }
0x18: {  	s0 =	sld [smem:$0x3F97];
	_ =	swait.ge [sflag:s4], $0x0  }
0x19: {  	s7 =	sld [smem:$0x3F98]  }
0x1a: {  	s8 =	sadd.s32 $0xFFFFE003, lr  }
0x1b: {  	s9 =	sadd.s32 $0xFFFFFEF7, lr;
	s5 =	simm.s32 $0xFFFFFFFF;
	p2 =	slt.u32 s8, $0xFFFFF086  }
0x1c: {  	p1 =	slt.u32 s9, $0xF7A;
	s5 =	simm.s32 @!p2 $0x0  }
0x1d: {  	s5 =	simm.s32 @p1 $0x1;
	p0 =	seq.s32 s7, s2  }
0x1e: {  	s7 =	smul.u32 @!p0 $0xF7A, s2;
	p2 =	seq.s32 @!p0 s5, $0x0  }
0x1f: {  	s9 =	smul.u32 $0xF7A, s1;
	s8 =	simm.s32 @!p0 $0x1BF5;
	p2 =	por !p2, p0  }
0x20: {  	[sflag:s8] =	ssyncset.s32 @!p0 $0xFFFFF086;
	s6 =	sadd.s32 @!p0 s3, s7;
	s7 =	simm.s32 @!p0 $0x108  }
0x21: {  	s3 =	sadd.s32 s3, s9;
	s6 =	sadd.s32 @!p0 $0x88, s6;
	s7 =	simm.s32 @p2 $0x1082  }
0x22: {  	[simem:s7], [sflag:s8] =	dma.local @!p0 [hbm:s6], $0xF7A  }
0x23: {  	s9 =	sor.u32 $0xD0000000, s2;
	s6 =	simm.s32 $0x108;
	_ =	swait.ge @!p0 [sflag:s8], $0x0  }
0x24: {  	s3 =	sadd.s32 $0x88, s3;
	s6 =	simm.s32 @!p1 $0x1082;
	[sflag:s4] =	ssyncset.s32 $0xFFFFF086  }
0x25: {  	[simem:s6], [sflag:s4] =	dma.local [hbm:s3], $0xF7A  }
0x26: {  	[smem:$0x3F98] =	sst s1;
	(tag) =	ssettag s2;
	_ =	strace s9  }
0x27: {  	s1 =	sld [smem:$0x3FA8]  }
0x28: {  	s2 =	sld [smem:$0x3FA9]  }
0x29: {  	s4 =	sld [smem:$0x3FAB]  }
0x2a: {  	p0 =	seq.s32 s5, $0x0;
	s5 =	sld [smem:$0x3FAC]  }
0x2b: {  	s6 =	sld [smem:$0x3FAD]  }
0x2c: {  	s7 =	sld [smem:$0x3FAE]  }
0x2d: {  	s3 =	simm.s32 $0x108;
	s8 =	sld [smem:$0x3FAF]  }
0x2e: {  	s3 =	simm.s32 @!p0 $0x1082;
	s9 =	sld [smem:$0x3FB0]  }
0x2f: {  	lr =	sadd.s32 s0, s3;
	s0 =	sld [smem:$0x3FA7]  }
0x30: {  	s3 =	sld [smem:$0x3FAA]  }
0x31: {  	[smem:$0x3FB3] =	sst s10  }
0x32: {  	s10 =	sld [smem:$0x3FB1];
	_ =	sdelay $0x3  }
0x33: {  	p0 =	seq.s32 s10, $0x1;
	s10 =	sld [smem:$0x3FB3];
	_ =	sdelay $0x3  }
0x34: {  	[smem:$0x3FB3] =	sst s10  }
0x35: {  	s10 =	sld [smem:$0x3FB2];
	_ =	sdelay $0x3  }
0x36: {  	p1 =	seq.s32 s10, $0x1;
	s10 =	sld [smem:$0x3FB3];
	_ =	sdelay $0x3  }
0x37: {  	[smem:$0x3FB3] =	sst s10  }
0x38: {  	s10 =	sld [smem:$0x3FB4]  }
0x39: {  	_ = 	snop;
	(pc) =	sbr.ind lr, $3  }
0x3a: {  	_ = 	snop  }
0x3b: {  	_ = 	snop  }
0x3c: {  	p2 =	seq.s32 s10, $0x1;
	s10 =	sld [smem:$0x3FB3]  }
0x3d: {  	_ =	shalt  }
0x3e: {  	_ =	shalt  }
0x3f: {  	_ =	shalt  }
0x40: {  	_ =	shalt  }
0x41: {  	_ =	shalt  }
0x42: {  	_ =	shalt  }
0x43: {  	_ =	shalt  }
0x44: {  	_ =	shalt  }
0x45: {  	_ =	shalt  }
0x46: {  	_ =	shalt  }
0x47: {  	_ =	shalt  }
0x48: {  	_ =	shalt  }
0x49: {  	_ =	shalt  }
0x4a: {  	_ =	shalt  }
0x4b: {  	_ =	shalt  }
0x4c: {  	_ =	shalt  }
0x4d: {  	_ =	shalt  }
0x4e: {  	_ =	shalt  }
0x4f: {  	_ =	shalt  }
0x50: {  	_ =	shalt  }
0x51: {  	_ =	shalt  }
0x52: {  	_ =	shalt  }
0x53: {  	_ =	shalt  }
0x54: {  	_ =	shalt  }
0x55: {  	_ =	shalt  }
0x56: {  	_ =	shalt  }
0x57: {  	_ =	shalt  }
0x58: {  	_ =	shalt  }
0x59: {  	_ =	shalt  }
0x5a: {  	_ =	shalt  }
0x5b: {  	_ =	shalt  }
0x5c: {  	_ =	shalt  }
0x5d: {  	_ =	shalt  }
0x5e: {  	_ =	shalt  }
0x5f: {  	_ =	shalt  }
0x60: {  	_ =	shalt  }
0x61: {  	_ =	shalt  }
0x62: {  	_ =	shalt  }
0x63: {  	_ =	shalt  }
0x64: {  	_ =	shalt  }
0x65: {  	_ =	shalt  }
0x66: {  	_ =	shalt  }
0x67: {  	_ =	shalt  }
0x68: {  	_ =	shalt  }
0x69: {  	_ =	shalt  }
0x6a: {  	_ =	shalt  }
0x6b: {  	_ =	shalt  }
0x6c: {  	_ =	shalt  }
0x6d: {  	_ =	shalt  }
0x6e: {  	_ =	shalt  }
0x6f: {  	_ =	shalt  }
0x70: {  	_ =	shalt  }
0x71: {  	_ =	shalt  }
0x72: {  	_ =	shalt  }
0x73: {  	_ =	shalt  }
0x74: {  	_ =	shalt  }
0x75: {  	_ =	shalt  }
0x76: {  	_ =	shalt  }
0x77: {  	_ =	shalt  }
0x78: {  	_ =	shalt  }
0x79: {  	_ =	shalt  }
0x7a: {  	_ =	shalt  }
0x7b: {  	_ =	shalt  }
0x7c: {  	_ =	shalt  }
0x7d: {  	_ =	shalt  }
0x7e: {  	_ =	shalt  }
0x7f: {  	_ =	shalt  }
0x80: {  	_ =	shalt  }
0x81: {  	_ =	shalt  }
0x82: {  	_ =	shalt  }
0x83: {  	_ =	shalt  }
0x84: {  	_ =	shalt  }
0x85: {  	_ =	shalt  }
0x86: {  	_ =	shalt  }
0x87: {  	_ =	shalt  }
.Lfunc_end0:
.L_simem_size_0:
called_computation_lowered:
.L_overlay_start_0:
0x88: {  	s2 =	sld [smem:$0x3FD9]  }
0x89: {  	s3 =	sld [smem:$0x3FFE];
	_ =	sdelay $0x1  }
0x8a: {  	s1 =	srdreg.scid  }
0x8b: {  	s0 =	sand.u32 $0x1, s1  }
0x8c: {  	s17 =	sshll.u32 s0, $0xA;
	s2 =	sadd.s32 s3, s2  }
0x8d: {  	s2 =	sadd.s32 s2, s17  }
0x8e: {  	[smem:$0x3FBF] =	sst s2  }
0x8f: {  	_ = 	snop  }
0x90: {  	s2 =	sld [smem:$0x3FC8]  }
0x91: {  	s18 =	sld [smem:$0x3FC6];
	(tm) =	ssettm $0x1  }
0x92: {  	s4 =	sld [smem:$0x3FFB];
	_ =	sdelay $0x3  }
0x93: {  	_ =	strace s4  }
0x94: {  	s4 =	sld [smem:$0x3FFC];
	_ =	sdelay $0x3  }
0x95: {  	_ =	strace s4  }
0x96: {  	s4 =	sld [smem:$0x3FFD];
	_ =	sdelay $0x3  }
0x97: {  	_ =	strace s4  }
0x98: {  	_ =	strace $0x8FFFFFFF  }
0x99: {  	s19 =	sld [smem:$0x3FDB];
	_ =	sdelay $0x1  }
0x9a: {  	s5 =	simm.s32 $_scs_section_size  }
0x9b: {  	s6 =	simm.s32 $_size__tile_overlayer_lowered;
	s7 =	simm.s32 $_tile_overlayer_lowered  }
0x9c: {  	s22 =	simm.s32 $0x1BFF;
	s21 =	sshll.u32 s7, $0x1;
	s4 =	sadd.s32 s5, s19  }
0x9d: {  	s8 =	simm.s32 $0x0;
	s20 =	sshll.u32 s6, $0x1;
	s6 =	sadd.s32 s21, s4  }
0x9e: {  	[timem:s8], [sflag:s22] =	dma.local [hbm:s6], s20  }
0x9f: {  	_ =	swait.ge [sflag:s22], s20  }
0xa0: {  	s5 =	ssub.s32 $0x0, s20;
	[sflag:s22] =	ssyncset.done $0x0  }
0xa1: {  	[sflag:s22] =	ssyncadd.s32 s5;
	_ =	sdelay $0x1  }
0xa2: {  	s23 =	simm.s32 $0x1B8B  }
0xa3: {  	_ =	swait.ge [sflag:s23], $0x1  }
0xa4: {  	[sflag:s23] =	ssyncset.done $0x0  }
0xa5: {  	s25 =	simm.s32 $0x1B8E;
	s24 =	sld [smem:$0x3FFE];
	[sflag:s23] =	ssyncadd.s32 $0xFFFFFFFF  }
0xa6: {  	s26 =	simm.s32 $execute0_lowered;
	[smem:$0x3FD2] =	sst s25  }
0xa7: {  	s6 =	sshll.u32 s26, $0x1;
	_ =	strace $0x80000046;
	[dreg:$0x1] =	wrdreg $0xFFFFFFFF  }
0xa8: {  	s28 =	simm.s32 $_size_execute0_lowered;
	s4 =	sadd.s32 s4, s6;
	[dreg:$0x0] =	wrdreg $0x0  }
0xa9: {  	s6 =	sshll.u32 s28, $0x1;
	[dreg:$0x2] =	wrdreg s4  }
0xaa: {  	[dreg:$0x3] =	wrdreg s6  }
0xab: {  	[dreg:$0x4] =	wrdreg $0xC0  }
0xac: {  	_ =	task [dreg:s8], $0x5FFFF  }
0xad: {  	[dreg:$0x1] =	wrdreg $0xFFFFFFFF  }
0xae: {  	[dreg:$0x0] =	wrdreg $0x60  }
0xaf: {  	[dreg:$0x2] =	wrdreg s2  }
0xb0: {  	[dreg:$0x3] =	wrdreg s18  }
0xb1: {  	[dreg:$0x4] =	wrdreg s24  }
0xb2: {  	[dreg:$0x5] =	wrdreg $0x9  }
0xb3: {  	_ =	task.clear_ibuf [dreg:s8], $0x6FFFF;
	_ =	strace $0x90000046  }
0xb4: {  	s29 =	simm.s32 $0x9;
	_ =	strace $0x80000048  }
0xb5: {  	_ =	swait.ge [sflag:s29], $0x1  }
0xb6: {  	[sflag:s29] =	ssyncadd.s32 $0xFFFFFFFF  }
0xb7: {  	_ =	strace $0x90000048  }
0xb8: {  	_ =	sfence  }
0xb9: {  	s30 =	sld [smem:$0x0];
	_ =	sdelay $0x2  }
0xba: {  	s31 =	sshll.u32 s1, $0xD;
	s1 =	sshrl.u32 s1, $0x2  }
0xbb: {  	s3 =	sand.u32 $0x4000, s31;
	s1 =	sadd.s32 s1, s30  }
0xbc: {  	s0 =	sor.u32 s3, s0;
	s1 =	sshll.u32 s1, $0x11  }
0xbd: {  	s0 =	sor.u32 s1, s0  }
0xbe: {  	s0 =	sadd.s32 $0x8F2B, s0  }
0xbf: {  	[sflag:s0] =	ssyncadd.remote.s32 $0x1  }
0xc0: {  	_ =	sfence.sel $0xFFFF  }
0xc1: {  	[dreg:$0x0] =	wrdreg $0xFFFFFFFF;
	(pc) =	sbr.abs _section_cstart, $3  }
0xc2: {  	[dreg:$0x1] =	wrdreg $0xFFFFFFFF  }
0xc3: {  	_ =	task.clear_ibuf [dreg:s8], $0x2FFFF;
	_ =	strace $0x9FFFFFFF  }
0xc4: {  	(tm) =	ssettm $0x7FFFFFFF  }
0xc5: {  	_ =	shalt  }
tec
execute0_lowered:
.L_overlay_start_1:
0x0: {  	(tag) =	ssettag $0x1  }
0x1: {  	s1 =	srdreg.scid;
	s0 =	stileid.u32  }
0x2: {  	s5 =	sand.u32 $0x1, s1;
	s6 =	sshll.u32 s0, $0x1  }
0x3: {  	s6 =	sor.u32 s5, s6  }
0x4: {  	p0 =	sgt.u32 s6, $0x18  }
.Ltmp0:
0x5: {  	s4 =	rddreg [dreg:$0x0];
	(pc) =	sbr.rel @p0 .LBB2_3-.Ltmp0, $4  }
0x6: {  	s2 =	rddreg [dreg:$0x1]  }
0x7: {  	s7 =	rddreg [dreg:$0x2];
	s3 =	simm.s32 $0x0  }
0x8: {  	[smem:$0x7FF] =	sst s3  }
0x9: {  	s1 =	rddreg [dreg:$0x3];
	_ =	strace $0x80000047  }
0xa: {  	s8 =	sshll.u32 s6, $0x6;
	s5 =	ssub.s32 $0x2, s5;
	s4 =	sadd.s32 s4, s6  }
0xb: {  	s6 =	simm.s32 $0x1;
	s9 =	simm.s32 $0x80;
	s10 =	simm.s32 $0x2080  }
0xc: {  	s11 =	simm.s32 $0x4080;
	s12 =	simm.s32 $0x6080;
	s13 =	simm.s32 $0x8080  }
0xd: {  	s14 =	simm.s32 $0xA080;
	s17 =	simm.s32 $0x10080;
	s15 =	simm.s32 $0xC080  }
0xe: {  	v0 =	vlaneseq.u32;
	s16 =	simm.s32 $0xE080;
	s7 =	sadd.s32 s8, s7;
	[dreg:$0x5] =	wrdreg s4  }
0xf: {  	s31 =	sshrl.u32 s5, $0x1;
	v0 =	vmul.u32 $0x80, v0;
	[dreg:$0x6] =	wrdreg s17;
	s7 =	sadd.s32 $0xE00, s7  }
0x10: {  	s8 =	simm.s32 $0x7A1400;
	s5 =	ssub.s32 s5, s31;
	[dreg:$0x4] =	wrdreg s7  }
0x11: {  	s4 =	smax.u32 s5, $0x1;
	s5 =	simm.s32 $0x2;
	s7 =	simm.s32 $0x400;
	v1 =	vor.u32 $0x800, v0;
	v2 =	vor.u32 $0x1000, v0;
	v3 =	vor.u32 $0x1800, v0  }
.LBB2_2:
0x12: {  	s17 =	rddreg [dreg:$0x5]  }
0x13: {  	[tilespmem:s3], [sflag:$0x2] =	stream.linear.gather [hbm4b:s17+s3], $0x10, $0x38;
	[tilespmem:$0x10280] =	vst v63  }
0x14: {  	_ =	swait.ge [sflag:s5], $0x10  }
0x15: {  	[sflag:s5] =	ssyncset.done $0x0  }
0x16: {  	[sflag:s5] =	ssyncadd.s32 $0xFFFFFFF0  }
0x17: {  	v4 =	vld [tilespmem:$0x0];
	_ =	sdelay $0x4  }
0x18: {  	(v2sf) =	vpush v4, $0x0;
	_ =	sdelay $0xd  }
0x19: {  	(v2sf) =	vpush v4, $0x1  }
0x1a: {  	s17 =	spop (v2sf)  }
0x1b: {  	s18 =	sshra.s32 s17, $0x1F  }
0x1c: {  	s18 =	sshrl.u32 s18, $0x19  }
0x1d: {  	s18 =	sadd.s32 s18, s17  }
0x1e: {  	s19 =	sand.u32 $0xFFFFFF80, s18  }
0x1f: {  	p0 =	slt.s32 s17, $0x1;
	p1 =	sne.s32 s17, s19  }
0x20: {  	p0 =	por !p0, !p1  }
0x21: {  	s19 =	simm.s32 $0x1;
	p0 =	por !p0, !p0  }
0x22: {  	s18 =	sshrl.u32 s18, $0x7;
	s19 =	simm.s32 @!p0 $0x0  }
0x23: {  	s18 =	ssub.s32 s18, s19  }
0x24: {  	s18 =	sshll.u32 s18, $0x7  }
0x25: {  	s18 =	sand.u32 $0x1FFFFF80, s18  }
0x26: {  	s18 =	sadd.s32 s2, s18  }
0x27: {  	(v2sf) =	vpush v4, $0x2;
	[tilespmem:s9], [sflag:$0x1] =	stream.strided.gather [hbm4b:s18+s7], $0x2000, s8, s7, $0x38;
	[tilespmem:$0x10280] =	vst v63  }
0x28: {  	s18 =	spop (v2sf)  }
0x29: {  	s20 =	sshra.s32 s18, $0x1F  }
0x2a: {  	s19 =	sshrl.u32 s20, $0x19  }
0x2b: {  	s19 =	sadd.s32 s19, s18  }
0x2c: {  	s20 =	sand.u32 $0xFFFFFF80, s19  }
0x2d: {  	p5 =	slt.s32 s18, $0x1;
	p6 =	sne.s32 s18, s20  }
0x2e: {  	p0 =	por !p5, !p6  }
0x2f: {  	s20 =	simm.s32 $0x1;
	p0 =	por !p0, !p0  }
0x30: {  	s19 =	sshrl.u32 s19, $0x7;
	s20 =	simm.s32 @!p0 $0x0  }
0x31: {  	s19 =	ssub.s32 s19, s20  }
0x32: {  	s19 =	sshll.u32 s19, $0x7  }
0x33: {  	s19 =	sand.u32 $0x1FFFFF80, s19  }
0x34: {  	s19 =	sadd.s32 s2, s19  }
0x35: {  	(v2sf) =	vpush v4, $0x3;
	[tilespmem:s10], [sflag:$0x1] =	stream.strided.gather [hbm4b:s19+s7], $0x2000, s8, s7, $0x38;
	[tilespmem:$0x10280] =	vst v63  }
0x36: {  	s19 =	spop (v2sf)  }
0x37: {  	s21 =	sshra.s32 s19, $0x1F  }
0x38: {  	s20 =	sshrl.u32 s21, $0x19  }
0x39: {  	s20 =	sadd.s32 s20, s19  }
0x3a: {  	s21 =	sand.u32 $0xFFFFFF80, s20  }
0x3b: {  	p1 =	slt.s32 s19, $0x1;
	p2 =	sne.s32 s19, s21  }
0x3c: {  	p0 =	por !p1, !p2  }
0x3d: {  	s21 =	simm.s32 $0x1;
	p0 =	por !p0, !p0  }
0x3e: {  	s20 =	sshrl.u32 s20, $0x7;
	s21 =	simm.s32 @!p0 $0x0  }
0x3f: {  	s20 =	ssub.s32 s20, s21  }
0x40: {  	s20 =	sshll.u32 s20, $0x7  }
0x41: {  	s20 =	sand.u32 $0x1FFFFF80, s20  }
0x42: {  	s20 =	sadd.s32 s2, s20  }
0x43: {  	(v2sf) =	vpush v4, $0x4;
	[tilespmem:s11], [sflag:$0x1] =	stream.strided.gather [hbm4b:s20+s7], $0x2000, s8, s7, $0x38;
	[tilespmem:$0x10280] =	vst v63  }
0x44: {  	s20 =	spop (v2sf)  }
0x45: {  	s22 =	sshra.s32 s20, $0x1F  }
0x46: {  	s21 =	sshrl.u32 s22, $0x19  }
0x47: {  	s21 =	sadd.s32 s21, s20  }
0x48: {  	s22 =	sand.u32 $0xFFFFFF80, s21  }
0x49: {  	p3 =	slt.s32 s20, $0x1;
	p4 =	sne.s32 s20, s22  }
0x4a: {  	p0 =	por !p3, !p4  }
0x4b: {  	s22 =	simm.s32 $0x1;
	p0 =	por !p0, !p0  }
0x4c: {  	s21 =	sshrl.u32 s21, $0x7;
	s22 =	simm.s32 @!p0 $0x0  }
0x4d: {  	s21 =	ssub.s32 s21, s22  }
0x4e: {  	(v2sf) =	vpush v4, $0x5;
	s21 =	sshll.u32 s21, $0x7  }
0x4f: {  	s21 =	sand.u32 $0x1FFFFF80, s21  }
0x50: {  	s21 =	sadd.s32 s2, s21  }
0x51: {  	[tilespmem:s12], [sflag:$0x1] =	stream.strided.gather [hbm4b:s21+s7], $0x2000, s8, s7, $0x38;
	[tilespmem:$0x10280] =	vst v63  }
0x52: {  	s21 =	spop (v2sf)  }
0x53: {  	s23 =	sshra.s32 s21, $0x1F  }
0x54: {  	(v2sf) =	vpush v4, $0x6;
	s22 =	sshrl.u32 s23, $0x19  }
0x55: {  	s22 =	sadd.s32 s22, s21  }
0x56: {  	s23 =	sand.u32 $0xFFFFFF80, s22  }
0x57: {  	p5 =	slt.s32 s21, $0x1;
	p6 =	sne.s32 s21, s23  }
0x58: {  	p0 =	por !p5, !p6  }
0x59: {  	s23 =	simm.s32 $0x1;
	p0 =	por !p0, !p0  }
0x5a: {  	s22 =	sshrl.u32 s22, $0x7;
	s23 =	simm.s32 @!p0 $0x0  }
0x5b: {  	s22 =	ssub.s32 s22, s23  }
0x5c: {  	s22 =	sshll.u32 s22, $0x7  }
0x5d: {  	s24 =	sand.u32 $0x1FFFFF80, s22;
	s22 =	spop (v2sf)  }
0x5e: {  	s23 =	sadd.s32 s2, s24;
	s25 =	sshra.s32 s22, $0x1F  }
0x5f: {  	[tilespmem:s13], [sflag:$0x1] =	stream.strided.gather [hbm4b:s23+s7], $0x2000, s8, s7, $0x38;
	[tilespmem:$0x10280] =	vst v63  }
0x60: {  	s23 =	sshrl.u32 s25, $0x19  }
0x61: {  	s23 =	sadd.s32 s23, s22  }
0x62: {  	s24 =	sand.u32 $0xFFFFFF80, s23  }
0x63: {  	p1 =	slt.s32 s22, $0x1;
	s28 =	spop (v2sf);
	(v2sf) =	vpush v4, $0x7;
	p2 =	sne.s32 s22, s24  }
0x64: {  	p0 =	por !p1, !p2  }
0x65: {  	s24 =	simm.s32 $0x1;
	p0 =	por !p0, !p0  }
0x66: {  	s23 =	sshrl.u32 s23, $0x7;
	s29 =	sshra.s32 s28, $0x1F;
	s24 =	simm.s32 @!p0 $0x0  }
0x67: {  	s23 =	ssub.s32 s23, s24;
	s24 =	sshrl.u32 s29, $0x19  }
0x68: {  	s23 =	sshll.u32 s23, $0x7;
	s24 =	sadd.s32 s24, s28  }
0x69: {  	s23 =	sand.u32 $0x1FFFFF80, s23;
	s25 =	sand.u32 $0xFFFFFF80, s24  }
0x6a: {  	p3 =	slt.s32 s28, $0x1;
	s26 =	sadd.s32 s2, s23;
	p4 =	sne.s32 s28, s25  }
0x6b: {  	[tilespmem:s14], [sflag:$0x1] =	stream.strided.gather [hbm4b:s26+s7], $0x2000, s8, s7, $0x38;
	[tilespmem:$0x10280] =	vst v63  }
0x6c: {  	p0 =	por !p3, !p4  }
0x6d: {  	s25 =	simm.s32 $0x1;
	p0 =	por !p0, !p0  }
0x6e: {  	s24 =	sshrl.u32 s24, $0x7;
	s25 =	simm.s32 @!p0 $0x0  }
0x6f: {  	s24 =	ssub.s32 s24, s25  }
0x70: {  	s24 =	sshll.u32 s24, $0x7  }
0x71: {  	s24 =	sand.u32 $0x1FFFFF80, s24  }
0x72: {  	s24 =	sadd.s32 s2, s24;
	s30 =	spop (v2sf)  }
0x73: {  	[tilespmem:s15], [sflag:$0x1] =	stream.strided.gather [hbm4b:s24+s7], $0x2000, s8, s7, $0x38;
	[tilespmem:$0x10280] =	vst v63  }
0x74: {  	s31 =	sshra.s32 s30, $0x1F  }
0x75: {  	s25 =	sshrl.u32 s31, $0x19  }
0x76: {  	s25 =	sadd.s32 s25, s30  }
0x77: {  	s26 =	sand.u32 $0xFFFFFF80, s25  }
0x78: {  	p5 =	slt.s32 s30, $0x1;
	p6 =	sne.s32 s30, s26  }
0x79: {  	p0 =	por !p5, !p6  }
0x7a: {  	s26 =	simm.s32 $0x1;
	p0 =	por !p0, !p0  }
0x7b: {  	s25 =	sshrl.u32 s25, $0x7;
	s26 =	simm.s32 @!p0 $0x0  }
0x7c: {  	s25 =	ssub.s32 s25, s26  }
0x7d: {  	s25 =	sshll.u32 s25, $0x7  }
0x7e: {  	s17 =	sand.u32 $0x7F, s17;
	s25 =	sand.u32 $0x1FFFFF80, s25  }
0x7f: {  	v4 =	vor.u32 s17, v0;
	s25 =	sadd.s32 s2, s25  }
0x80: {  	[tilespmem:s16], [sflag:$0x1] =	stream.strided.gather [hbm4b:s25+s7], $0x2000, s8, s7, $0x38;
	[tilespmem:$0x10280] =	vst v63  }
0x81: {  	_ =	swait.ge [sflag:s6], $0x2000  }
0x82: {  	[sflag:s6] =	ssyncset.done $0x0  }
0x83: {  	[sflag:s6] =	ssyncadd.s32 $0xFFFFE000  }
0x84: {  	v4 =	vld.idx.msk [tilespmem:v4+s9+$0x0], $0xffff  }
0x85: {  	v5 =	vor.u32 s17, v1;
	_ =	sdelay $0x3  }
0x86: {  	[tilespmem:$0x10080] =	vst v4  }
0x87: {  	v4 =	vld.idx.msk [tilespmem:v5+s9+$0x0], $0xffff  }
0x88: {  	v5 =	vor.u32 s17, v2;
	_ =	sdelay $0x3  }
0x89: {  	[tilespmem:$0x10090] =	vst v4  }
0x8a: {  	v4 =	vld.idx.msk [tilespmem:v5+s9+$0x0], $0xffff  }
0x8b: {  	v5 =	vor.u32 s17, v3;
	_ =	sdelay $0x3  }
0x8c: {  	[tilespmem:$0x100A0] =	vst v4  }
0x8d: {  	v4 =	vld.idx.msk [tilespmem:v5+s9+$0x0], $0xffff;
	_ =	sdelay $0x2  }
0x8e: {  	s18 =	sand.u32 $0x7F, s18  }
0x8f: {  	v5 =	vor.u32 s18, v0  }
0x90: {  	[tilespmem:$0x100B0] =	vst v4  }
0x91: {  	_ =	swait.ge [sflag:s6], $0x2000  }
0x92: {  	[sflag:s6] =	ssyncset.done $0x0  }
0x93: {  	[sflag:s6] =	ssyncadd.s32 $0xFFFFE000  }
0x94: {  	v4 =	vld.idx.msk [tilespmem:v5+s10+$0x0], $0xffff  }
0x95: {  	v5 =	vor.u32 s18, v1;
	_ =	sdelay $0x3  }
0x96: {  	[tilespmem:$0x100C0] =	vst v4  }
0x97: {  	v4 =	vld.idx.msk [tilespmem:v5+s10+$0x0], $0xffff  }
0x98: {  	v5 =	vor.u32 s18, v2;
	_ =	sdelay $0x3  }
0x99: {  	[tilespmem:$0x100D0] =	vst v4  }
0x9a: {  	v4 =	vld.idx.msk [tilespmem:v5+s10+$0x0], $0xffff  }
0x9b: {  	v5 =	vor.u32 s18, v3;
	_ =	sdelay $0x3  }
0x9c: {  	[tilespmem:$0x100E0] =	vst v4  }
0x9d: {  	v4 =	vld.idx.msk [tilespmem:v5+s10+$0x0], $0xffff;
	_ =	sdelay $0x2  }
0x9e: {  	s19 =	sand.u32 $0x7F, s19  }
0x9f: {  	v5 =	vor.u32 s19, v0  }
0xa0: {  	[tilespmem:$0x100F0] =	vst v4  }
0xa1: {  	_ =	swait.ge [sflag:s6], $0x2000  }
0xa2: {  	[sflag:s6] =	ssyncset.done $0x0  }
0xa3: {  	[sflag:s6] =	ssyncadd.s32 $0xFFFFE000  }
0xa4: {  	v4 =	vld.idx.msk [tilespmem:v5+s11+$0x0], $0xffff  }
0xa5: {  	v5 =	vor.u32 s19, v1;
	_ =	sdelay $0x3  }
0xa6: {  	[tilespmem:$0x10100] =	vst v4  }
0xa7: {  	v4 =	vld.idx.msk [tilespmem:v5+s11+$0x0], $0xffff  }
0xa8: {  	v5 =	vor.u32 s19, v2;
	_ =	sdelay $0x3  }
0xa9: {  	[tilespmem:$0x10110] =	vst v4  }
0xaa: {  	v4 =	vld.idx.msk [tilespmem:v5+s11+$0x0], $0xffff  }
0xab: {  	v5 =	vor.u32 s19, v3;
	_ =	sdelay $0x3  }
0xac: {  	[tilespmem:$0x10120] =	vst v4  }
0xad: {  	v4 =	vld.idx.msk [tilespmem:v5+s11+$0x0], $0xffff;
	_ =	sdelay $0x2  }
0xae: {  	s20 =	sand.u32 $0x7F, s20  }
0xaf: {  	v5 =	vor.u32 s20, v0  }
0xb0: {  	[tilespmem:$0x10130] =	vst v4  }
0xb1: {  	_ =	swait.ge [sflag:s6], $0x2000  }
0xb2: {  	[sflag:s6] =	ssyncset.done $0x0  }
0xb3: {  	[sflag:s6] =	ssyncadd.s32 $0xFFFFE000  }
0xb4: {  	v4 =	vld.idx.msk [tilespmem:v5+s12+$0x0], $0xffff  }
0xb5: {  	v5 =	vor.u32 s20, v1;
	_ =	sdelay $0x3  }
0xb6: {  	[tilespmem:$0x10140] =	vst v4  }
0xb7: {  	v4 =	vld.idx.msk [tilespmem:v5+s12+$0x0], $0xffff  }
0xb8: {  	v5 =	vor.u32 s20, v2;
	_ =	sdelay $0x3  }
0xb9: {  	[tilespmem:$0x10150] =	vst v4  }
0xba: {  	v4 =	vld.idx.msk [tilespmem:v5+s12+$0x0], $0xffff  }
0xbb: {  	v5 =	vor.u32 s20, v3;
	_ =	sdelay $0x3  }
0xbc: {  	[tilespmem:$0x10160] =	vst v4  }
0xbd: {  	v4 =	vld.idx.msk [tilespmem:v5+s12+$0x0], $0xffff;
	_ =	sdelay $0x2  }
0xbe: {  	s25 =	sand.u32 $0x7F, s21  }
0xbf: {  	v5 =	vor.u32 s25, v0  }
0xc0: {  	[tilespmem:$0x10170] =	vst v4  }
0xc1: {  	_ =	swait.ge [sflag:s6], $0x2000  }
0xc2: {  	[sflag:s6] =	ssyncset.done $0x0  }
0xc3: {  	[sflag:s6] =	ssyncadd.s32 $0xFFFFE000  }
0xc4: {  	v4 =	vld.idx.msk [tilespmem:v5+s13+$0x0], $0xffff  }
0xc5: {  	v5 =	vor.u32 s25, v1;
	_ =	sdelay $0x3  }
0xc6: {  	[tilespmem:$0x10180] =	vst v4  }
0xc7: {  	v4 =	vld.idx.msk [tilespmem:v5+s13+$0x0], $0xffff  }
0xc8: {  	v5 =	vor.u32 s25, v2;
	_ =	sdelay $0x3  }
0xc9: {  	[tilespmem:$0x10190] =	vst v4  }
0xca: {  	v4 =	vld.idx.msk [tilespmem:v5+s13+$0x0], $0xffff  }
0xcb: {  	v5 =	vor.u32 s25, v3;
	_ =	sdelay $0x3  }
0xcc: {  	[tilespmem:$0x101A0] =	vst v4  }
0xcd: {  	v4 =	vld.idx.msk [tilespmem:v5+s13+$0x0], $0xffff;
	_ =	sdelay $0x2  }
0xce: {  	s26 =	sand.u32 $0x7F, s22  }
0xcf: {  	v5 =	vor.u32 s26, v0  }
0xd0: {  	[tilespmem:$0x101B0] =	vst v4  }
0xd1: {  	_ =	swait.ge [sflag:s6], $0x2000  }
0xd2: {  	[sflag:s6] =	ssyncset.done $0x0  }
0xd3: {  	[sflag:s6] =	ssyncadd.s32 $0xFFFFE000  }
0xd4: {  	v4 =	vld.idx.msk [tilespmem:v5+s14+$0x0], $0xffff  }
0xd5: {  	v5 =	vor.u32 s26, v1;
	_ =	sdelay $0x3  }
0xd6: {  	[tilespmem:$0x101C0] =	vst v4  }
0xd7: {  	v4 =	vld.idx.msk [tilespmem:v5+s14+$0x0], $0xffff  }
0xd8: {  	v5 =	vor.u32 s26, v2;
	_ =	sdelay $0x3  }
0xd9: {  	[tilespmem:$0x101D0] =	vst v4  }
0xda: {  	v4 =	vld.idx.msk [tilespmem:v5+s14+$0x0], $0xffff  }
0xdb: {  	v5 =	vor.u32 s26, v3;
	_ =	sdelay $0x3  }
0xdc: {  	[tilespmem:$0x101E0] =	vst v4  }
0xdd: {  	v4 =	vld.idx.msk [tilespmem:v5+s14+$0x0], $0xffff;
	_ =	sdelay $0x2  }
0xde: {  	s28 =	sand.u32 $0x7F, s28  }
0xdf: {  	v5 =	vor.u32 s28, v0  }
0xe0: {  	[tilespmem:$0x101F0] =	vst v4  }
0xe1: {  	_ =	swait.ge [sflag:s6], $0x2000  }
0xe2: {  	[sflag:s6] =	ssyncset.done $0x0  }
0xe3: {  	[sflag:s6] =	ssyncadd.s32 $0xFFFFE000  }
0xe4: {  	v4 =	vld.idx.msk [tilespmem:v5+s15+$0x0], $0xffff  }
0xe5: {  	v5 =	vor.u32 s28, v1;
	_ =	sdelay $0x3  }
0xe6: {  	[tilespmem:$0x10200] =	vst v4  }
0xe7: {  	v4 =	vld.idx.msk [tilespmem:v5+s15+$0x0], $0xffff  }
0xe8: {  	v5 =	vor.u32 s28, v2;
	_ =	sdelay $0x3  }
0xe9: {  	[tilespmem:$0x10210] =	vst v4  }
0xea: {  	v4 =	vld.idx.msk [tilespmem:v5+s15+$0x0], $0xffff  }
0xeb: {  	v5 =	vor.u32 s28, v3;
	_ =	sdelay $0x3  }
0xec: {  	[tilespmem:$0x10220] =	vst v4  }
0xed: {  	v4 =	vld.idx.msk [tilespmem:v5+s15+$0x0], $0xffff;
	_ =	sdelay $0x2  }
0xee: {  	s29 =	sand.u32 $0x7F, s30  }
0xef: {  	v5 =	vor.u32 s29, v0  }
0xf0: {  	[tilespmem:$0x10230] =	vst v4  }
0xf1: {  	_ =	swait.ge [sflag:s6], $0x2000  }
0xf2: {  	[sflag:s6] =	ssyncset.done $0x0  }
0xf3: {  	[sflag:s6] =	ssyncadd.s32 $0xFFFFE000  }
0xf4: {  	v4 =	vld.idx.msk [tilespmem:v5+s16+$0x0], $0xffff  }
0xf5: {  	v5 =	vor.u32 s29, v1;
	_ =	sdelay $0x3  }
0xf6: {  	[tilespmem:$0x10240] =	vst v4  }
0xf7: {  	v4 =	vld.idx.msk [tilespmem:v5+s16+$0x0], $0xffff  }
0xf8: {  	v5 =	vor.u32 s29, v2;
	_ =	sdelay $0x3  }
0xf9: {  	[tilespmem:$0x10250] =	vst v4  }
0xfa: {  	v4 =	vld.idx.msk [tilespmem:v5+s16+$0x0], $0xffff  }
0xfb: {  	v5 =	vor.u32 s29, v3;
	_ =	sdelay $0x3  }
0xfc: {  	[tilespmem:$0x10260] =	vst v4  }
0xfd: {  	v4 =	vld.idx.msk [tilespmem:v5+s16+$0x0], $0xffff;
	_ =	sdelay $0x3  }
0xfe: {  	p0 =	sne.s32 s4, $0x1;
	s30 =	rddreg [dreg:$0x4]  }
.Ltmp1:
0xff: {  	s31 =	rddreg [dreg:$0x6];
	[tilespmem:$0x10270] =	vst v4;
	(pc) =	sbr.rel @p0 .LBB2_2-.Ltmp1, $4  }
0x100: {  	[hbm4b:s30+s3] =	stream.linear.scatter [tilespmem:s31], [sflag:$0x2], $0x200, $0x38;
	[tilespmem:$0x10280] =	vst v63  }
0x101: {  	_ =	swait.ge [sflag:s5], $0x200  }
0x102: {  	[sflag:s5] =	ssyncset.done $0x0  }
0x103: {  	s4 =	sadd.s32 $0xFFFFFFFF, s4;
	[sflag:s5] =	ssyncadd.s32 $0xFFFFFE00  }
.LBB2_3:
0x104: {  	_ =	sfence.sel $0x180000  }
0x105: {  	[bflag:$0x0] =	sbarrier.arrive $0xFFFF  }
0x106: {  	p0 =	sne.s32 s0, $0x0;
	_ =	strace $0x90000047  }
0x107: {  	s0 =	sadd.s32 @!p0 $0x100000, s1;
	[bflag:$0x2] =	sbarrier.arrive $0xFFFF  }
0x108: {  	[sflag:s0] =	ssyncadd.tile.s32 @!p0 $0x1;
	_ =	shalt  }
.Lfunc_end2:
_tile_overlayer_lowered:
.L_overlay_start_2:
0x109: {  	(tag) =	ssettag $0x2  }
0x10a: {  	s0 =	rddreg [dreg:$0x0];
	s2 =	stileid.u32  }
0x10b: {  	s1 =	rddreg [dreg:$0x1];
	p0 =	sne.s32 s2, $0x0  }
0x10c: {  	s3 =	rddreg [dreg:$0x2];
	[bflag:$0x3] =	sbarrier.arrive $0xFFFF;
	s2 =	simm.s32 @!p0 $0x1C02  }
0x10d: {  	[timem:s3], [sflag:s2] =	dma.local @!p0 [hbm:s0], s1  }
0x10e: {  	s0 =	simm.s32 @!p0 $0x2  }
0x10f: {  	_ =	swait.ge @!p0 [sflag:s0], s1  }
0x110: {  	s1 =	ssub.s32 @!p0 $0x0, s1;
	[sflag:s0] =	ssyncset.done @!p0 $0x0  }
0x111: {  	[sflag:s0] =	ssyncadd.s32 @!p0 s1  }
0x112: {  	[bflag:$0x3] =	sbarrier.arrive $0xFFFF  }
0x113: {  	_ =	shalt  }

</sc_bundles>
